<compile_context>
chip_gen: v7x
topology: tpu7x:2x2x1
jax: 0.10.2.dev20260603
libtpu: 0.0.44.dev20260713+nightly
codegen_flags: <defaults>
</compile_context>

<pallas_src>
import functools

import jax
import jax.numpy as jnp
from jax import lax
from jax.experimental import pallas as pl
from jax.experimental.pallas import tpu as pltpu
from jax.experimental.pallas import tpu_sc as plsc


def _table_body(emb_ref, w_ref, b_ref, tab_ref):
    tab_ref[...] = lax.dot_general(
        emb_ref[...], w_ref[...],
        dimension_numbers=(((1,), (1,)), ((), ())),
        preferred_element_type=jnp.float32,
    ) + b_ref[...]


def _make_table(emb, w, b):
    V = w.shape[0]
    return pl.pallas_call(
        _table_body,
        out_shape=jax.ShapeDtypeStruct((emb.shape[0], V), jnp.float32),
    )(emb, w, b.reshape(1, V))


def _sc_gather(table, ids2d):
    B, L = ids2d.shape
    E, V = table.shape
    info = plsc.get_sparse_core_info()
    nc, ns = info.num_cores, info.num_subcores
    nw = nc * ns
    CH = 16
    NB = 4
    R = (B * L) // CH
    rpw = R // nw
    ids_r = ids2d.reshape(R, CH)
    tpw = (E + ns - 1) // ns
    mesh = plsc.VectorSubcoreMesh(core_axis_name="c", subcore_axis_name="s")

    @functools.partial(
        pl.kernel, mesh=mesh,
        compiler_params=pltpu.CompilerParams(use_tc_tiling_on_sc=False),
        out_type=jax.ShapeDtypeStruct((R, CH, V), jnp.float32),
        scratch_types=(
            [pltpu.VMEM((rpw, CH), jnp.int32)]
            + [pltpu.VMEM((CH, V), jnp.float32) for _ in range(NB)]
            + [pltpu.VMEM_SHARED((E, V), jnp.float32)]
            + [pltpu.SemaphoreType.DMA for _ in range(2 * NB)]
        ),
    )
    def k(tab_hbm, ids_hbm, out_hbm, idx_v, b0, b1, b2, b3, tab_sp,
          g0, g1, g2, g3, o0, o1, o2, o3):
        bufs = [b0, b1, b2, b3]
        sgs = [g0, g1, g2, g3]
        sos = [o0, o1, o2, o3]
        cid = lax.axis_index("c")
        sid = lax.axis_index("s")
        wid = sid * nc + cid
        base = wid * rpw
        pltpu.sync_copy(ids_hbm.at[pl.ds(base, rpw)], idx_v)

        t0 = sid * tpw

        @pl.when(t0 + tpw <= E)
        def _():
            pltpu.sync_copy(tab_hbm.at[pl.ds(t0, tpw)],
                            tab_sp.at[pl.ds(t0, tpw)])

        @pl.when(t0 + tpw > E)
        def _():
            last = E - (ns - 1) * tpw
            pltpu.sync_copy(tab_hbm.at[pl.ds(t0, last)],
                            tab_sp.at[pl.ds(t0, last)])

        plsc.subcore_barrier()

        def g_copy(c, b):
            return pltpu.make_async_copy(
                tab_sp.at[idx_v.at[c]], bufs[b], sgs[b])

        def o_copy(c, b):
            return pltpu.make_async_copy(
                bufs[b], out_hbm.at[base + c], sos[b])

        for b in range(NB):
            g_copy(b, b).start()

        nloop = rpw // NB

        def body(i, carry):
            for b in range(NB):
                c = i * NB + b
                g_copy(c, b).wait()
                o_copy(c, b).start()
            for b in range(NB):
                c = i * NB + b

                @pl.when(i < nloop - 1)
                def _():
                    o_copy(c, b).wait()
                    g_copy(c + NB, b).start()

            return carry

        lax.fori_loop(0, nloop, body, 0)
        for b in range(NB):
            o_copy(rpw - NB + b, b).wait()

    return k(table, ids_r).reshape(B, L, V)


def kernel(input_ids, emb_table, lm_head_w, lm_head_b):
    table = _make_table(emb_table, lm_head_w, lm_head_b)
    return _sc_gather(table, input_ids)

# --- scband reference (transcript-rebuilt; emitter-appended) ---
"""Pipeline reference for scband-tiny-policy-10694468567807 (READ-ONLY COPY).

The authoritative reference and input builder live on the scoring server;
editing this copy changes nothing except your own understanding.
"""

import jax, jax.numpy as jnp
import numpy as np


def setup_inputs(seed: int = 0) -> dict:
    key = jax.random.key(seed)
    k1, k2, k3, k4 = jax.random.split(key, 4)
    vocab, hidden = 1000, 64
    input_ids = jax.random.randint(k1, (1024, 50), 0, vocab)
    emb_table = jax.random.normal(k2, (vocab, hidden), dtype=jnp.float32) * 0.02
    lm_head_w = jax.random.normal(k3, (vocab, hidden), dtype=jnp.float32) * 0.02
    lm_head_b = jnp.zeros((vocab,), dtype=jnp.float32)
    return {"input_ids": input_ids, "emb_table": emb_table, "lm_head_w": lm_head_w, "lm_head_b": lm_head_b}


def reference(input_ids, emb_table, lm_head_w, lm_head_b):
    # hidden = self.embedding(input_ids)
    hidden = jnp.take(emb_table, input_ids, axis=0)  # [B, L, H]
    # return self.lm_head(hidden)  -> Linear: x @ W.T + b
    logits = jnp.einsum("blh,vh->blv", hidden, lm_head_w) + lm_head_b
    return logits

if __name__ == "__main__":
    import jax
    _d = setup_inputs()
    print(jax.jit(kernel)(*tuple(_d.values())))

</pallas_src>

<mosaic_0001>
#map = affine_map<(d0, d1) -> (0, 0)>
#map1 = affine_map<(d0, d1) -> (0, 0, 0)>
module attributes {stable_mosaic.version = 14 : i64} {
  func.func @k(%arg0: i32, %arg1: i32, %arg2: memref<1000x1000xf32, #tpu.memory_space<hbm>>, %arg3: memref<3200x16xi32, #tpu.memory_space<hbm>>, %arg4: memref<3200x16x1000xf32, #tpu.memory_space<hbm>>, %arg5: memref<100x16xi32, #tpu.memory_space<vmem>>, %arg6: memref<16x1000xf32, #tpu.memory_space<vmem>>, %arg7: memref<16x1000xf32, #tpu.memory_space<vmem>>, %arg8: memref<16x1000xf32, #tpu.memory_space<vmem>>, %arg9: memref<16x1000xf32, #tpu.memory_space<vmem>>, %arg10: memref<1000x1000xf32, #tpu.memory_space<vmem_shared>>, %arg11: memref<!tpu.dma_semaphore, #tpu.memory_space<semaphore_mem>>, %arg12: memref<!tpu.dma_semaphore, #tpu.memory_space<semaphore_mem>>, %arg13: memref<!tpu.dma_semaphore, #tpu.memory_space<semaphore_mem>>, %arg14: memref<!tpu.dma_semaphore, #tpu.memory_space<semaphore_mem>>, %arg15: memref<!tpu.dma_semaphore, #tpu.memory_space<semaphore_mem>>, %arg16: memref<!tpu.dma_semaphore, #tpu.memory_space<semaphore_mem>>, %arg17: memref<!tpu.dma_semaphore, #tpu.memory_space<semaphore_mem>>, %arg18: memref<!tpu.dma_semaphore, #tpu.memory_space<semaphore_mem>>) attributes {dimension_semantics = [#tpu.dimension_semantics<core_parallel>, #tpu.dimension_semantics<subcore_parallel>], iteration_bounds = array<i64: 2, 16>, scalar_prefetch = 0 : i64, scratch_operands = 14 : i64, tpu.core_type = #tpu.core_type<sc_vector_subcore>, window_params = [{transform_indices = #map}, {transform_indices = #map}, {transform_indices = #map1}]} {
    %mul3A = arith.constant 2 : i32
    %mul3A_0 = arith.muli %arg1, %mul3A : i32
    %add3A = arith.addi %mul3A_0, %arg0 : i32
    %mul3A_1 = arith.constant 100 : i32
    %mul3A_2 = arith.muli %add3A, %mul3A_1 : i32
    "tpu.region"() ({
      %run_scoped3A = tpu.sem_alloc : memref<!tpu.dma_semaphore, #tpu.memory_space<semaphore_mem>>
      %dma_start3A_86 = arith.constant 0 : i32
      %dma_start3A_87 = tpu.memref_slice %arg3[%mul3A_2, %dma_start3A_86] : memref<3200x16xi32, #tpu.memory_space<hbm>> -> memref<100x16xi32, #tpu.memory_space<hbm>>
      %dma_start3A_88 = arith.constant 0 : i32
      %dma_start3A_89 = tpu.memref_slice %arg3[%mul3A_2, %dma_start3A_88] : memref<3200x16xi32, #tpu.memory_space<hbm>> -> memref<100x16xi32, #tpu.memory_space<hbm>>
      tpu.enqueue_dma source(%dma_start3A_89 : memref<100x16xi32, #tpu.memory_space<hbm>>) target(%arg5 : memref<100x16xi32, #tpu.memory_space<vmem>>) target_semaphore(%run_scoped3A : memref<!tpu.dma_semaphore, #tpu.memory_space<semaphore_mem>>)
      %dma_wait3A_90 = arith.constant 0 : i32
      %dma_wait3A_91 = tpu.memref_slice %arg3[%mul3A_2, %dma_wait3A_90] : memref<3200x16xi32, #tpu.memory_space<hbm>> -> memref<100x16xi32, #tpu.memory_space<hbm>>
      %dma_wait3A_92 = arith.constant 0 : i32
      %dma_wait3A_93 = tpu.memref_slice %arg3[%mul3A_2, %dma_wait3A_92] : memref<3200x16xi32, #tpu.memory_space<hbm>> -> memref<100x16xi32, #tpu.memory_space<hbm>>
      tpu.wait_dma2 semaphore(%run_scoped3A : memref<!tpu.dma_semaphore, #tpu.memory_space<semaphore_mem>>) src(%dma_wait3A_93 : memref<100x16xi32, #tpu.memory_space<hbm>>) dst(%arg5 : memref<100x16xi32, #tpu.memory_space<vmem>>)
      tpu.yield
    }) : () -> ()
    %mul3A_3 = arith.constant 63 : i32
    %mul3A_4 = arith.muli %arg1, %mul3A_3 : i32
    %add3A_5 = arith.constant 63 : i32
    %add3A_6 = arith.addi %mul3A_4, %add3A_5 : i32
    %le3A = arith.constant 1000 : i32
    %le3A_7 = arith.cmpi sle, %add3A_6, %le3A : i32
    %convert_element_type3A = arith.extui %le3A_7 : i1 to i32
    %cond3A = arith.constant 0 : i32
    %cond3A_8 = arith.cmpi ne, %convert_element_type3A, %cond3A : i32
    scf.if %cond3A_8 {
      "tpu.region"() ({
        %run_scoped3A = tpu.sem_alloc : memref<!tpu.dma_semaphore, #tpu.memory_space<semaphore_mem>>
        %dma_start3A_86 = arith.constant 0 : i32
        %dma_start3A_87 = tpu.memref_slice %arg10[%mul3A_4, %dma_start3A_86] : memref<1000x1000xf32, #tpu.memory_space<vmem_shared>> -> memref<63x1000xf32, #tpu.memory_space<vmem_shared>>
        %dma_start3A_88 = arith.constant 0 : i32
        %dma_start3A_89 = tpu.memref_slice %arg2[%mul3A_4, %dma_start3A_88] : memref<1000x1000xf32, #tpu.memory_space<hbm>> -> memref<63x1000xf32, #tpu.memory_space<hbm>>
        tpu.enqueue_dma source(%dma_start3A_89 : memref<63x1000xf32, #tpu.memory_space<hbm>>) target(%dma_start3A_87 : memref<63x1000xf32, #tpu.memory_space<vmem_shared>>) target_semaphore(%run_scoped3A : memref<!tpu.dma_semaphore, #tpu.memory_space<semaphore_mem>>)
        %dma_wait3A_90 = arith.constant 0 : i32
        %dma_wait3A_91 = tpu.memref_slice %arg10[%mul3A_4, %dma_wait3A_90] : memref<1000x1000xf32, #tpu.memory_space<vmem_shared>> -> memref<63x1000xf32, #tpu.memory_space<vmem_shared>>
        %dma_wait3A_92 = arith.constant 0 : i32
        %dma_wait3A_93 = tpu.memref_slice %arg2[%mul3A_4, %dma_wait3A_92] : memref<1000x1000xf32, #tpu.memory_space<hbm>> -> memref<63x1000xf32, #tpu.memory_space<hbm>>
        tpu.wait_dma2 semaphore(%run_scoped3A : memref<!tpu.dma_semaphore, #tpu.memory_space<semaphore_mem>>) src(%dma_wait3A_93 : memref<63x1000xf32, #tpu.memory_space<hbm>>) dst(%dma_wait3A_91 : memref<63x1000xf32, #tpu.memory_space<vmem_shared>>)
        tpu.yield
      }) : () -> ()
    } else {
    }
    %add3A_9 = arith.constant 63 : i32
    %add3A_10 = arith.addi %mul3A_4, %add3A_9 : i32
    %gt3A = arith.constant 1000 : i32
    %gt3A_11 = arith.cmpi sgt, %add3A_10, %gt3A : i32
    %convert_element_type3A_12 = arith.extui %gt3A_11 : i1 to i32
    %cond3A_13 = arith.constant 0 : i32
    %cond3A_14 = arith.cmpi ne, %convert_element_type3A_12, %cond3A_13 : i32
    scf.if %cond3A_14 {
      "tpu.region"() ({
        %run_scoped3A = tpu.sem_alloc : memref<!tpu.dma_semaphore, #tpu.memory_space<semaphore_mem>>
        %dma_start3A_86 = arith.constant 0 : i32
        %dma_start3A_87 = tpu.memref_slice %arg10[%mul3A_4, %dma_start3A_86] : memref<1000x1000xf32, #tpu.memory_space<vmem_shared>> -> memref<55x1000xf32, #tpu.memory_space<vmem_shared>>
        %dma_start3A_88 = arith.constant 0 : i32
        %dma_start3A_89 = tpu.memref_slice %arg2[%mul3A_4, %dma_start3A_88] : memref<1000x1000xf32, #tpu.memory_space<hbm>> -> memref<55x1000xf32, #tpu.memory_space<hbm>>
        tpu.enqueue_dma source(%dma_start3A_89 : memref<55x1000xf32, #tpu.memory_space<hbm>>) target(%dma_start3A_87 : memref<55x1000xf32, #tpu.memory_space<vmem_shared>>) target_semaphore(%run_scoped3A : memref<!tpu.dma_semaphore, #tpu.memory_space<semaphore_mem>>)
        %dma_wait3A_90 = arith.constant 0 : i32
        %dma_wait3A_91 = tpu.memref_slice %arg10[%mul3A_4, %dma_wait3A_90] : memref<1000x1000xf32, #tpu.memory_space<vmem_shared>> -> memref<55x1000xf32, #tpu.memory_space<vmem_shared>>
        %dma_wait3A_92 = arith.constant 0 : i32
        %dma_wait3A_93 = tpu.memref_slice %arg2[%mul3A_4, %dma_wait3A_92] : memref<1000x1000xf32, #tpu.memory_space<hbm>> -> memref<55x1000xf32, #tpu.memory_space<hbm>>
        tpu.wait_dma2 semaphore(%run_scoped3A : memref<!tpu.dma_semaphore, #tpu.memory_space<semaphore_mem>>) src(%dma_wait3A_93 : memref<55x1000xf32, #tpu.memory_space<hbm>>) dst(%dma_wait3A_91 : memref<55x1000xf32, #tpu.memory_space<vmem_shared>>)
        tpu.yield
      }) : () -> ()
    } else {
    }
    %barrier3A = arith.constant 0 : index
    tpu.barrier barrier_id(%barrier3A)
    %dma_start3A = arith.constant 0 : i32
    %dma_start3A_15 = arith.constant 0 : i32
    %dma_start3A_16 = tpu.memref_slice %arg5[%dma_start3A, %dma_start3A_15] : memref<100x16xi32, #tpu.memory_space<vmem>> -> memref<1x16xi32, #tpu.memory_space<vmem>>
    %dma_start3A_17 = tpu.memref_squeeze %dma_start3A_16 : memref<1x16xi32, #tpu.memory_space<vmem>> -> memref<16xi32, #tpu.memory_space<vmem>>
    %dma_start3A_18 = arith.constant 0 : i32
    %dma_start3A_19 = arith.constant 0 : i32
    %dma_start3A_20 = tpu.memref_slice %arg10[%dma_start3A_18, %dma_start3A_19] : memref<1000x1000xf32, #tpu.memory_space<vmem_shared>> -> memref<1000x1000xf32, #tpu.memory_space<vmem_shared>>
    tpu.enqueue_indirect_dma source(%dma_start3A_20 : memref<1000x1000xf32, #tpu.memory_space<vmem_shared>>) target(%arg6 : memref<16x1000xf32, #tpu.memory_space<vmem>>) offsets(%dma_start3A_17 : memref<16xi32, #tpu.memory_space<vmem>>) semaphore(%arg11 : memref<!tpu.dma_semaphore, #tpu.memory_space<semaphore_mem>>)
    %dma_start3A_21 = arith.constant 1 : i32
    %dma_start3A_22 = arith.constant 0 : i32
    %dma_start3A_23 = tpu.memref_slice %arg5[%dma_start3A_21, %dma_start3A_22] : memref<100x16xi32, #tpu.memory_space<vmem>> -> memref<1x16xi32, #tpu.memory_space<vmem>>
    %dma_start3A_24 = tpu.memref_squeeze %dma_start3A_23 : memref<1x16xi32, #tpu.memory_space<vmem>> -> memref<16xi32, #tpu.memory_space<vmem>>
    %dma_start3A_25 = arith.constant 0 : i32
    %dma_start3A_26 = arith.constant 0 : i32
    %dma_start3A_27 = tpu.memref_slice %arg10[%dma_start3A_25, %dma_start3A_26] : memref<1000x1000xf32, #tpu.memory_space<vmem_shared>> -> memref<1000x1000xf32, #tpu.memory_space<vmem_shared>>
    tpu.enqueue_indirect_dma source(%dma_start3A_27 : memref<1000x1000xf32, #tpu.memory_space<vmem_shared>>) target(%arg7 : memref<16x1000xf32, #tpu.memory_space<vmem>>) offsets(%dma_start3A_24 : memref<16xi32, #tpu.memory_space<vmem>>) semaphore(%arg12 : memref<!tpu.dma_semaphore, #tpu.memory_space<semaphore_mem>>)
    %dma_start3A_28 = arith.constant 2 : i32
    %dma_start3A_29 = arith.constant 0 : i32
    %dma_start3A_30 = tpu.memref_slice %arg5[%dma_start3A_28, %dma_start3A_29] : memref<100x16xi32, #tpu.memory_space<vmem>> -> memref<1x16xi32, #tpu.memory_space<vmem>>
    %dma_start3A_31 = tpu.memref_squeeze %dma_start3A_30 : memref<1x16xi32, #tpu.memory_space<vmem>> -> memref<16xi32, #tpu.memory_space<vmem>>
    %dma_start3A_32 = arith.constant 0 : i32
    %dma_start3A_33 = arith.constant 0 : i32
    %dma_start3A_34 = tpu.memref_slice %arg10[%dma_start3A_32, %dma_start3A_33] : memref<1000x1000xf32, #tpu.memory_space<vmem_shared>> -> memref<1000x1000xf32, #tpu.memory_space<vmem_shared>>
    tpu.enqueue_indirect_dma source(%dma_start3A_34 : memref<1000x1000xf32, #tpu.memory_space<vmem_shared>>) target(%arg8 : memref<16x1000xf32, #tpu.memory_space<vmem>>) offsets(%dma_start3A_31 : memref<16xi32, #tpu.memory_space<vmem>>) semaphore(%arg13 : memref<!tpu.dma_semaphore, #tpu.memory_space<semaphore_mem>>)
    %dma_start3A_35 = arith.constant 3 : i32
    %dma_start3A_36 = arith.constant 0 : i32
    %dma_start3A_37 = tpu.memref_slice %arg5[%dma_start3A_35, %dma_start3A_36] : memref<100x16xi32, #tpu.memory_space<vmem>> -> memref<1x16xi32, #tpu.memory_space<vmem>>
    %dma_start3A_38 = tpu.memref_squeeze %dma_start3A_37 : memref<1x16xi32, #tpu.memory_space<vmem>> -> memref<16xi32, #tpu.memory_space<vmem>>
    %dma_start3A_39 = arith.constant 0 : i32
    %dma_start3A_40 = arith.constant 0 : i32
    %dma_start3A_41 = tpu.memref_slice %arg10[%dma_start3A_39, %dma_start3A_40] : memref<1000x1000xf32, #tpu.memory_space<vmem_shared>> -> memref<1000x1000xf32, #tpu.memory_space<vmem_shared>>
    tpu.enqueue_indirect_dma source(%dma_start3A_41 : memref<1000x1000xf32, #tpu.memory_space<vmem_shared>>) target(%arg9 : memref<16x1000xf32, #tpu.memory_space<vmem>>) offsets(%dma_start3A_38 : memref<16xi32, #tpu.memory_space<vmem>>) semaphore(%arg14 : memref<!tpu.dma_semaphore, #tpu.memory_space<semaphore_mem>>)
    %scan3A = arith.constant 0 : i32
    %scan3A_42 = arith.constant 0 : i32
    %scan3A_43 = arith.constant 25 : i32
    %scan3A_44 = arith.addi %scan3A_42, %scan3A_43 : i32
    %scan3A_45 = arith.constant 1 : i32
    scf.for %scan3A_86 = %scan3A_42 to %scan3A_44 step %scan3A_45  : i32 {
      %mul3A_87 = arith.constant 4 : i32
      %mul3A_88 = arith.muli %scan3A_86, %mul3A_87 : i32
      %add3A_89 = arith.constant 0 : i32
      %add3A_90 = arith.addi %mul3A_88, %add3A_89 : i32
      %dma_wait3A_91 = arith.constant 0 : i32
      %dma_wait3A_92 = tpu.memref_slice %arg5[%add3A_90, %dma_wait3A_91] : memref<100x16xi32, #tpu.memory_space<vmem>> -> memref<1x16xi32, #tpu.memory_space<vmem>>
      %dma_wait3A_93 = tpu.memref_squeeze %dma_wait3A_92 : memref<1x16xi32, #tpu.memory_space<vmem>> -> memref<16xi32, #tpu.memory_space<vmem>>
      %dma_wait3A_94 = arith.constant 0 : i32
      %dma_wait3A_95 = arith.constant 0 : i32
      %dma_wait3A_96 = tpu.memref_slice %arg10[%dma_wait3A_94, %dma_wait3A_95] : memref<1000x1000xf32, #tpu.memory_space<vmem_shared>> -> memref<1000x1000xf32, #tpu.memory_space<vmem_shared>>
      tpu.wait_indirect_dma semaphore(%arg11 : memref<!tpu.dma_semaphore, #tpu.memory_space<semaphore_mem>>) src(%dma_wait3A_96 : memref<1000x1000xf32, #tpu.memory_space<vmem_shared>>) dst(%arg6 : memref<16x1000xf32, #tpu.memory_space<vmem>>)
      %add3A_97 = arith.addi %mul3A_2, %add3A_90 : i32
      %dma_start3A_98 = arith.constant 0 : i32
      %dma_start3A_99 = arith.constant 0 : i32
      %dma_start3A_100 = tpu.memref_slice %arg4[%add3A_97, %dma_start3A_98, %dma_start3A_99] : memref<3200x16x1000xf32, #tpu.memory_space<hbm>> -> memref<1x16x1000xf32, #tpu.memory_space<hbm>>
      %dma_start3A_101 = tpu.memref_squeeze %dma_start3A_100 : memref<1x16x1000xf32, #tpu.memory_space<hbm>> -> memref<16x1000xf32, #tpu.memory_space<hbm>>
      %dma_start3A_102 = arith.constant 0 : i32
      %dma_start3A_103 = arith.constant 0 : i32
      %dma_start3A_104 = tpu.memref_slice %arg4[%add3A_97, %dma_start3A_102, %dma_start3A_103] : memref<3200x16x1000xf32, #tpu.memory_space<hbm>> -> memref<1x16x1000xf32, #tpu.memory_space<hbm>>
      %dma_start3A_105 = tpu.memref_squeeze %dma_start3A_104 : memref<1x16x1000xf32, #tpu.memory_space<hbm>> -> memref<16x1000xf32, #tpu.memory_space<hbm>>
      tpu.enqueue_dma source(%arg6 : memref<16x1000xf32, #tpu.memory_space<vmem>>) target(%dma_start3A_105 : memref<16x1000xf32, #tpu.memory_space<hbm>>) target_semaphore(%arg15 : memref<!tpu.dma_semaphore, #tpu.memory_space<semaphore_mem>>)
      %mul3A_106 = arith.constant 4 : i32
      %mul3A_107 = arith.muli %scan3A_86, %mul3A_106 : i32
      %add3A_108 = arith.constant 1 : i32
      %add3A_109 = arith.addi %mul3A_107, %add3A_108 : i32
      %dma_wait3A_110 = arith.constant 0 : i32
      %dma_wait3A_111 = tpu.memref_slice %arg5[%add3A_109, %dma_wait3A_110] : memref<100x16xi32, #tpu.memory_space<vmem>> -> memref<1x16xi32, #tpu.memory_space<vmem>>
      %dma_wait3A_112 = tpu.memref_squeeze %dma_wait3A_111 : memref<1x16xi32, #tpu.memory_space<vmem>> -> memref<16xi32, #tpu.memory_space<vmem>>
      %dma_wait3A_113 = arith.constant 0 : i32
      %dma_wait3A_114 = arith.constant 0 : i32
      %dma_wait3A_115 = tpu.memref_slice %arg10[%dma_wait3A_113, %dma_wait3A_114] : memref<1000x1000xf32, #tpu.memory_space<vmem_shared>> -> memref<1000x1000xf32, #tpu.memory_space<vmem_shared>>
      tpu.wait_indirect_dma semaphore(%arg12 : memref<!tpu.dma_semaphore, #tpu.memory_space<semaphore_mem>>) src(%dma_wait3A_115 : memref<1000x1000xf32, #tpu.memory_space<vmem_shared>>) dst(%arg7 : memref<16x1000xf32, #tpu.memory_space<vmem>>)
      %add3A_116 = arith.addi %mul3A_2, %add3A_109 : i32
      %dma_start3A_117 = arith.constant 0 : i32
      %dma_start3A_118 = arith.constant 0 : i32
      %dma_start3A_119 = tpu.memref_slice %arg4[%add3A_116, %dma_start3A_117, %dma_start3A_118] : memref<3200x16x1000xf32, #tpu.memory_space<hbm>> -> memref<1x16x1000xf32, #tpu.memory_space<hbm>>
      %dma_start3A_120 = tpu.memref_squeeze %dma_start3A_119 : memref<1x16x1000xf32, #tpu.memory_space<hbm>> -> memref<16x1000xf32, #tpu.memory_space<hbm>>
      %dma_start3A_121 = arith.constant 0 : i32
      %dma_start3A_122 = arith.constant 0 : i32
      %dma_start3A_123 = tpu.memref_slice %arg4[%add3A_116, %dma_start3A_121, %dma_start3A_122] : memref<3200x16x1000xf32, #tpu.memory_space<hbm>> -> memref<1x16x1000xf32, #tpu.memory_space<hbm>>
      %dma_start3A_124 = tpu.memref_squeeze %dma_start3A_123 : memref<1x16x1000xf32, #tpu.memory_space<hbm>> -> memref<16x1000xf32, #tpu.memory_space<hbm>>
      tpu.enqueue_dma source(%arg7 : memref<16x1000xf32, #tpu.memory_space<vmem>>) target(%dma_start3A_124 : memref<16x1000xf32, #tpu.memory_space<hbm>>) target_semaphore(%arg16 : memref<!tpu.dma_semaphore, #tpu.memory_space<semaphore_mem>>)
      %mul3A_125 = arith.constant 4 : i32
      %mul3A_126 = arith.muli %scan3A_86, %mul3A_125 : i32
      %add3A_127 = arith.constant 2 : i32
      %add3A_128 = arith.addi %mul3A_126, %add3A_127 : i32
      %dma_wait3A_129 = arith.constant 0 : i32
      %dma_wait3A_130 = tpu.memref_slice %arg5[%add3A_128, %dma_wait3A_129] : memref<100x16xi32, #tpu.memory_space<vmem>> -> memref<1x16xi32, #tpu.memory_space<vmem>>
      %dma_wait3A_131 = tpu.memref_squeeze %dma_wait3A_130 : memref<1x16xi32, #tpu.memory_space<vmem>> -> memref<16xi32, #tpu.memory_space<vmem>>
      %dma_wait3A_132 = arith.constant 0 : i32
      %dma_wait3A_133 = arith.constant 0 : i32
      %dma_wait3A_134 = tpu.memref_slice %arg10[%dma_wait3A_132, %dma_wait3A_133] : memref<1000x1000xf32, #tpu.memory_space<vmem_shared>> -> memref<1000x1000xf32, #tpu.memory_space<vmem_shared>>
      tpu.wait_indirect_dma semaphore(%arg13 : memref<!tpu.dma_semaphore, #tpu.memory_space<semaphore_mem>>) src(%dma_wait3A_134 : memref<1000x1000xf32, #tpu.memory_space<vmem_shared>>) dst(%arg8 : memref<16x1000xf32, #tpu.memory_space<vmem>>)
      %add3A_135 = arith.addi %mul3A_2, %add3A_128 : i32
      %dma_start3A_136 = arith.constant 0 : i32
      %dma_start3A_137 = arith.constant 0 : i32
      %dma_start3A_138 = tpu.memref_slice %arg4[%add3A_135, %dma_start3A_136, %dma_start3A_137] : memref<3200x16x1000xf32, #tpu.memory_space<hbm>> -> memref<1x16x1000xf32, #tpu.memory_space<hbm>>
      %dma_start3A_139 = tpu.memref_squeeze %dma_start3A_138 : memref<1x16x1000xf32, #tpu.memory_space<hbm>> -> memref<16x1000xf32, #tpu.memory_space<hbm>>
      %dma_start3A_140 = arith.constant 0 : i32
      %dma_start3A_141 = arith.constant 0 : i32
      %dma_start3A_142 = tpu.memref_slice %arg4[%add3A_135, %dma_start3A_140, %dma_start3A_141] : memref<3200x16x1000xf32, #tpu.memory_space<hbm>> -> memref<1x16x1000xf32, #tpu.memory_space<hbm>>
      %dma_start3A_143 = tpu.memref_squeeze %dma_start3A_142 : memref<1x16x1000xf32, #tpu.memory_space<hbm>> -> memref<16x1000xf32, #tpu.memory_space<hbm>>
      tpu.enqueue_dma source(%arg8 : memref<16x1000xf32, #tpu.memory_space<vmem>>) target(%dma_start3A_143 : memref<16x1000xf32, #tpu.memory_space<hbm>>) target_semaphore(%arg17 : memref<!tpu.dma_semaphore, #tpu.memory_space<semaphore_mem>>)
      %mul3A_144 = arith.constant 4 : i32
      %mul3A_145 = arith.muli %scan3A_86, %mul3A_144 : i32
      %add3A_146 = arith.constant 3 : i32
      %add3A_147 = arith.addi %mul3A_145, %add3A_146 : i32
      %dma_wait3A_148 = arith.constant 0 : i32
      %dma_wait3A_149 = tpu.memref_slice %arg5[%add3A_147, %dma_wait3A_148] : memref<100x16xi32, #tpu.memory_space<vmem>> -> memref<1x16xi32, #tpu.memory_space<vmem>>
      %dma_wait3A_150 = tpu.memref_squeeze %dma_wait3A_149 : memref<1x16xi32, #tpu.memory_space<vmem>> -> memref<16xi32, #tpu.memory_space<vmem>>
      %dma_wait3A_151 = arith.constant 0 : i32
      %dma_wait3A_152 = arith.constant 0 : i32
      %dma_wait3A_153 = tpu.memref_slice %arg10[%dma_wait3A_151, %dma_wait3A_152] : memref<1000x1000xf32, #tpu.memory_space<vmem_shared>> -> memref<1000x1000xf32, #tpu.memory_space<vmem_shared>>
      tpu.wait_indirect_dma semaphore(%arg14 : memref<!tpu.dma_semaphore, #tpu.memory_space<semaphore_mem>>) src(%dma_wait3A_153 : memref<1000x1000xf32, #tpu.memory_space<vmem_shared>>) dst(%arg9 : memref<16x1000xf32, #tpu.memory_space<vmem>>)
      %add3A_154 = arith.addi %mul3A_2, %add3A_147 : i32
      %dma_start3A_155 = arith.constant 0 : i32
      %dma_start3A_156 = arith.constant 0 : i32
      %dma_start3A_157 = tpu.memref_slice %arg4[%add3A_154, %dma_start3A_155, %dma_start3A_156] : memref<3200x16x1000xf32, #tpu.memory_space<hbm>> -> memref<1x16x1000xf32, #tpu.memory_space<hbm>>
      %dma_start3A_158 = tpu.memref_squeeze %dma_start3A_157 : memref<1x16x1000xf32, #tpu.memory_space<hbm>> -> memref<16x1000xf32, #tpu.memory_space<hbm>>
      %dma_start3A_159 = arith.constant 0 : i32
      %dma_start3A_160 = arith.constant 0 : i32
      %dma_start3A_161 = tpu.memref_slice %arg4[%add3A_154, %dma_start3A_159, %dma_start3A_160] : memref<3200x16x1000xf32, #tpu.memory_space<hbm>> -> memref<1x16x1000xf32, #tpu.memory_space<hbm>>
      %dma_start3A_162 = tpu.memref_squeeze %dma_start3A_161 : memref<1x16x1000xf32, #tpu.memory_space<hbm>> -> memref<16x1000xf32, #tpu.memory_space<hbm>>
      tpu.enqueue_dma source(%arg9 : memref<16x1000xf32, #tpu.memory_space<vmem>>) target(%dma_start3A_162 : memref<16x1000xf32, #tpu.memory_space<hbm>>) target_semaphore(%arg18 : memref<!tpu.dma_semaphore, #tpu.memory_space<semaphore_mem>>)
      %mul3A_163 = arith.constant 4 : i32
      %mul3A_164 = arith.muli %scan3A_86, %mul3A_163 : i32
      %add3A_165 = arith.constant 0 : i32
      %add3A_166 = arith.addi %mul3A_164, %add3A_165 : i32
      %lt3A = arith.constant 24 : i32
      %lt3A_167 = arith.cmpi slt, %scan3A_86, %lt3A : i32
      %convert_element_type3A_168 = arith.extui %lt3A_167 : i1 to i32
      %cond3A_169 = arith.constant 0 : i32
      %cond3A_170 = arith.cmpi ne, %convert_element_type3A_168, %cond3A_169 : i32
      scf.if %cond3A_170 {
        %add3A_198 = arith.addi %mul3A_2, %add3A_166 : i32
        %dma_wait3A_199 = arith.constant 0 : i32
        %dma_wait3A_200 = arith.constant 0 : i32
        %dma_wait3A_201 = tpu.memref_slice %arg4[%add3A_198, %dma_wait3A_199, %dma_wait3A_200] : memref<3200x16x1000xf32, #tpu.memory_space<hbm>> -> memref<1x16x1000xf32, #tpu.memory_space<hbm>>
        %dma_wait3A_202 = tpu.memref_squeeze %dma_wait3A_201 : memref<1x16x1000xf32, #tpu.memory_space<hbm>> -> memref<16x1000xf32, #tpu.memory_space<hbm>>
        %dma_wait3A_203 = arith.constant 0 : i32
        %dma_wait3A_204 = arith.constant 0 : i32
        %dma_wait3A_205 = tpu.memref_slice %arg4[%add3A_198, %dma_wait3A_203, %dma_wait3A_204] : memref<3200x16x1000xf32, #tpu.memory_space<hbm>> -> memref<1x16x1000xf32, #tpu.memory_space<hbm>>
        %dma_wait3A_206 = tpu.memref_squeeze %dma_wait3A_205 : memref<1x16x1000xf32, #tpu.memory_space<hbm>> -> memref<16x1000xf32, #tpu.memory_space<hbm>>
        tpu.wait_dma2 semaphore(%arg15 : memref<!tpu.dma_semaphore, #tpu.memory_space<semaphore_mem>>) src(%arg6 : memref<16x1000xf32, #tpu.memory_space<vmem>>) dst(%dma_wait3A_206 : memref<16x1000xf32, #tpu.memory_space<hbm>>)
        %add3A_207 = arith.constant 4 : i32
        %add3A_208 = arith.addi %add3A_166, %add3A_207 : i32
        %dma_start3A_209 = arith.constant 0 : i32
        %dma_start3A_210 = tpu.memref_slice %arg5[%add3A_208, %dma_start3A_209] : memref<100x16xi32, #tpu.memory_space<vmem>> -> memref<1x16xi32, #tpu.memory_space<vmem>>
        %dma_start3A_211 = tpu.memref_squeeze %dma_start3A_210 : memref<1x16xi32, #tpu.memory_space<vmem>> -> memref<16xi32, #tpu.memory_space<vmem>>
        %dma_start3A_212 = arith.constant 0 : i32
        %dma_start3A_213 = arith.constant 0 : i32
        %dma_start3A_214 = tpu.memref_slice %arg10[%dma_start3A_212, %dma_start3A_213] : memref<1000x1000xf32, #tpu.memory_space<vmem_shared>> -> memref<1000x1000xf32, #tpu.memory_space<vmem_shared>>
        tpu.enqueue_indirect_dma source(%dma_start3A_214 : memref<1000x1000xf32, #tpu.memory_space<vmem_shared>>) target(%arg6 : memref<16x1000xf32, #tpu.memory_space<vmem>>) offsets(%dma_start3A_211 : memref<16xi32, #tpu.memory_space<vmem>>) semaphore(%arg11 : memref<!tpu.dma_semaphore, #tpu.memory_space<semaphore_mem>>)
      } else {
      }
      %mul3A_171 = arith.constant 4 : i32
      %mul3A_172 = arith.muli %scan3A_86, %mul3A_171 : i32
      %add3A_173 = arith.constant 1 : i32
      %add3A_174 = arith.addi %mul3A_172, %add3A_173 : i32
      %lt3A_175 = arith.constant 24 : i32
      %lt3A_176 = arith.cmpi slt, %scan3A_86, %lt3A_175 : i32
      %convert_element_type3A_177 = arith.extui %lt3A_176 : i1 to i32
      %cond3A_178 = arith.constant 0 : i32
      %cond3A_179 = arith.cmpi ne, %convert_element_type3A_177, %cond3A_178 : i32
      scf.if %cond3A_179 {
        %add3A_198 = arith.addi %mul3A_2, %add3A_174 : i32
        %dma_wait3A_199 = arith.constant 0 : i32
        %dma_wait3A_200 = arith.constant 0 : i32
        %dma_wait3A_201 = tpu.memref_slice %arg4[%add3A_198, %dma_wait3A_199, %dma_wait3A_200] : memref<3200x16x1000xf32, #tpu.memory_space<hbm>> -> memref<1x16x1000xf32, #tpu.memory_space<hbm>>
        %dma_wait3A_202 = tpu.memref_squeeze %dma_wait3A_201 : memref<1x16x1000xf32, #tpu.memory_space<hbm>> -> memref<16x1000xf32, #tpu.memory_space<hbm>>
        %dma_wait3A_203 = arith.constant 0 : i32
        %dma_wait3A_204 = arith.constant 0 : i32
        %dma_wait3A_205 = tpu.memref_slice %arg4[%add3A_198, %dma_wait3A_203, %dma_wait3A_204] : memref<3200x16x1000xf32, #tpu.memory_space<hbm>> -> memref<1x16x1000xf32, #tpu.memory_space<hbm>>
        %dma_wait3A_206 = tpu.memref_squeeze %dma_wait3A_205 : memref<1x16x1000xf32, #tpu.memory_space<hbm>> -> memref<16x1000xf32, #tpu.memory_space<hbm>>
        tpu.wait_dma2 semaphore(%arg16 : memref<!tpu.dma_semaphore, #tpu.memory_space<semaphore_mem>>) src(%arg7 : memref<16x1000xf32, #tpu.memory_space<vmem>>) dst(%dma_wait3A_206 : memref<16x1000xf32, #tpu.memory_space<hbm>>)
        %add3A_207 = arith.constant 4 : i32
        %add3A_208 = arith.addi %add3A_174, %add3A_207 : i32
        %dma_start3A_209 = arith.constant 0 : i32
        %dma_start3A_210 = tpu.memref_slice %arg5[%add3A_208, %dma_start3A_209] : memref<100x16xi32, #tpu.memory_space<vmem>> -> memref<1x16xi32, #tpu.memory_space<vmem>>
        %dma_start3A_211 = tpu.memref_squeeze %dma_start3A_210 : memref<1x16xi32, #tpu.memory_space<vmem>> -> memref<16xi32, #tpu.memory_space<vmem>>
        %dma_start3A_212 = arith.constant 0 : i32
        %dma_start3A_213 = arith.constant 0 : i32
        %dma_start3A_214 = tpu.memref_slice %arg10[%dma_start3A_212, %dma_start3A_213] : memref<1000x1000xf32, #tpu.memory_space<vmem_shared>> -> memref<1000x1000xf32, #tpu.memory_space<vmem_shared>>
        tpu.enqueue_indirect_dma source(%dma_start3A_214 : memref<1000x1000xf32, #tpu.memory_space<vmem_shared>>) target(%arg7 : memref<16x1000xf32, #tpu.memory_space<vmem>>) offsets(%dma_start3A_211 : memref<16xi32, #tpu.memory_space<vmem>>) semaphore(%arg12 : memref<!tpu.dma_semaphore, #tpu.memory_space<semaphore_mem>>)
      } else {
      }
      %mul3A_180 = arith.constant 4 : i32
      %mul3A_181 = arith.muli %scan3A_86, %mul3A_180 : i32
      %add3A_182 = arith.constant 2 : i32
      %add3A_183 = arith.addi %mul3A_181, %add3A_182 : i32
      %lt3A_184 = arith.constant 24 : i32
      %lt3A_185 = arith.cmpi slt, %scan3A_86, %lt3A_184 : i32
      %convert_element_type3A_186 = arith.extui %lt3A_185 : i1 to i32
      %cond3A_187 = arith.constant 0 : i32
      %cond3A_188 = arith.cmpi ne, %convert_element_type3A_186, %cond3A_187 : i32
      scf.if %cond3A_188 {
        %add3A_198 = arith.addi %mul3A_2, %add3A_183 : i32
        %dma_wait3A_199 = arith.constant 0 : i32
        %dma_wait3A_200 = arith.constant 0 : i32
        %dma_wait3A_201 = tpu.memref_slice %arg4[%add3A_198, %dma_wait3A_199, %dma_wait3A_200] : memref<3200x16x1000xf32, #tpu.memory_space<hbm>> -> memref<1x16x1000xf32, #tpu.memory_space<hbm>>
        %dma_wait3A_202 = tpu.memref_squeeze %dma_wait3A_201 : memref<1x16x1000xf32, #tpu.memory_space<hbm>> -> memref<16x1000xf32, #tpu.memory_space<hbm>>
        %dma_wait3A_203 = arith.constant 0 : i32
        %dma_wait3A_204 = arith.constant 0 : i32
        %dma_wait3A_205 = tpu.memref_slice %arg4[%add3A_198, %dma_wait3A_203, %dma_wait3A_204] : memref<3200x16x1000xf32, #tpu.memory_space<hbm>> -> memref<1x16x1000xf32, #tpu.memory_space<hbm>>
        %dma_wait3A_206 = tpu.memref_squeeze %dma_wait3A_205 : memref<1x16x1000xf32, #tpu.memory_space<hbm>> -> memref<16x1000xf32, #tpu.memory_space<hbm>>
        tpu.wait_dma2 semaphore(%arg17 : memref<!tpu.dma_semaphore, #tpu.memory_space<semaphore_mem>>) src(%arg8 : memref<16x1000xf32, #tpu.memory_space<vmem>>) dst(%dma_wait3A_206 : memref<16x1000xf32, #tpu.memory_space<hbm>>)
        %add3A_207 = arith.constant 4 : i32
        %add3A_208 = arith.addi %add3A_183, %add3A_207 : i32
        %dma_start3A_209 = arith.constant 0 : i32
        %dma_start3A_210 = tpu.memref_slice %arg5[%add3A_208, %dma_start3A_209] : memref<100x16xi32, #tpu.memory_space<vmem>> -> memref<1x16xi32, #tpu.memory_space<vmem>>
        %dma_start3A_211 = tpu.memref_squeeze %dma_start3A_210 : memref<1x16xi32, #tpu.memory_space<vmem>> -> memref<16xi32, #tpu.memory_space<vmem>>
        %dma_start3A_212 = arith.constant 0 : i32
        %dma_start3A_213 = arith.constant 0 : i32
        %dma_start3A_214 = tpu.memref_slice %arg10[%dma_start3A_212, %dma_start3A_213] : memref<1000x1000xf32, #tpu.memory_space<vmem_shared>> -> memref<1000x1000xf32, #tpu.memory_space<vmem_shared>>
        tpu.enqueue_indirect_dma source(%dma_start3A_214 : memref<1000x1000xf32, #tpu.memory_space<vmem_shared>>) target(%arg8 : memref<16x1000xf32, #tpu.memory_space<vmem>>) offsets(%dma_start3A_211 : memref<16xi32, #tpu.memory_space<vmem>>) semaphore(%arg13 : memref<!tpu.dma_semaphore, #tpu.memory_space<semaphore_mem>>)
      } else {
      }
      %mul3A_189 = arith.constant 4 : i32
      %mul3A_190 = arith.muli %scan3A_86, %mul3A_189 : i32
      %add3A_191 = arith.constant 3 : i32
      %add3A_192 = arith.addi %mul3A_190, %add3A_191 : i32
      %lt3A_193 = arith.constant 24 : i32
      %lt3A_194 = arith.cmpi slt, %scan3A_86, %lt3A_193 : i32
      %convert_element_type3A_195 = arith.extui %lt3A_194 : i1 to i32
      %cond3A_196 = arith.constant 0 : i32
      %cond3A_197 = arith.cmpi ne, %convert_element_type3A_195, %cond3A_196 : i32
      scf.if %cond3A_197 {
        %add3A_198 = arith.addi %mul3A_2, %add3A_192 : i32
        %dma_wait3A_199 = arith.constant 0 : i32
        %dma_wait3A_200 = arith.constant 0 : i32
        %dma_wait3A_201 = tpu.memref_slice %arg4[%add3A_198, %dma_wait3A_199, %dma_wait3A_200] : memref<3200x16x1000xf32, #tpu.memory_space<hbm>> -> memref<1x16x1000xf32, #tpu.memory_space<hbm>>
        %dma_wait3A_202 = tpu.memref_squeeze %dma_wait3A_201 : memref<1x16x1000xf32, #tpu.memory_space<hbm>> -> memref<16x1000xf32, #tpu.memory_space<hbm>>
        %dma_wait3A_203 = arith.constant 0 : i32
        %dma_wait3A_204 = arith.constant 0 : i32
        %dma_wait3A_205 = tpu.memref_slice %arg4[%add3A_198, %dma_wait3A_203, %dma_wait3A_204] : memref<3200x16x1000xf32, #tpu.memory_space<hbm>> -> memref<1x16x1000xf32, #tpu.memory_space<hbm>>
        %dma_wait3A_206 = tpu.memref_squeeze %dma_wait3A_205 : memref<1x16x1000xf32, #tpu.memory_space<hbm>> -> memref<16x1000xf32, #tpu.memory_space<hbm>>
        tpu.wait_dma2 semaphore(%arg18 : memref<!tpu.dma_semaphore, #tpu.memory_space<semaphore_mem>>) src(%arg9 : memref<16x1000xf32, #tpu.memory_space<vmem>>) dst(%dma_wait3A_206 : memref<16x1000xf32, #tpu.memory_space<hbm>>)
        %add3A_207 = arith.constant 4 : i32
        %add3A_208 = arith.addi %add3A_192, %add3A_207 : i32
        %dma_start3A_209 = arith.constant 0 : i32
        %dma_start3A_210 = tpu.memref_slice %arg5[%add3A_208, %dma_start3A_209] : memref<100x16xi32, #tpu.memory_space<vmem>> -> memref<1x16xi32, #tpu.memory_space<vmem>>
        %dma_start3A_211 = tpu.memref_squeeze %dma_start3A_210 : memref<1x16xi32, #tpu.memory_space<vmem>> -> memref<16xi32, #tpu.memory_space<vmem>>
        %dma_start3A_212 = arith.constant 0 : i32
        %dma_start3A_213 = arith.constant 0 : i32
        %dma_start3A_214 = tpu.memref_slice %arg10[%dma_start3A_212, %dma_start3A_213] : memref<1000x1000xf32, #tpu.memory_space<vmem_shared>> -> memref<1000x1000xf32, #tpu.memory_space<vmem_shared>>
        tpu.enqueue_indirect_dma source(%dma_start3A_214 : memref<1000x1000xf32, #tpu.memory_space<vmem_shared>>) target(%arg9 : memref<16x1000xf32, #tpu.memory_space<vmem>>) offsets(%dma_start3A_211 : memref<16xi32, #tpu.memory_space<vmem>>) semaphore(%arg14 : memref<!tpu.dma_semaphore, #tpu.memory_space<semaphore_mem>>)
      } else {
      }
    }
    %scan3A_46 = arith.constant 25 : i32
    %add3A_47 = arith.constant 96 : i32
    %add3A_48 = arith.addi %mul3A_2, %add3A_47 : i32
    %dma_wait3A = arith.constant 0 : i32
    %dma_wait3A_49 = arith.constant 0 : i32
    %dma_wait3A_50 = tpu.memref_slice %arg4[%add3A_48, %dma_wait3A, %dma_wait3A_49] : memref<3200x16x1000xf32, #tpu.memory_space<hbm>> -> memref<1x16x1000xf32, #tpu.memory_space<hbm>>
    %dma_wait3A_51 = tpu.memref_squeeze %dma_wait3A_50 : memref<1x16x1000xf32, #tpu.memory_space<hbm>> -> memref<16x1000xf32, #tpu.memory_space<hbm>>
    %dma_wait3A_52 = arith.constant 0 : i32
    %dma_wait3A_53 = arith.constant 0 : i32
    %dma_wait3A_54 = tpu.memref_slice %arg4[%add3A_48, %dma_wait3A_52, %dma_wait3A_53] : memref<3200x16x1000xf32, #tpu.memory_space<hbm>> -> memref<1x16x1000xf32, #tpu.memory_space<hbm>>
    %dma_wait3A_55 = tpu.memref_squeeze %dma_wait3A_54 : memref<1x16x1000xf32, #tpu.memory_space<hbm>> -> memref<16x1000xf32, #tpu.memory_space<hbm>>
    tpu.wait_dma2 semaphore(%arg15 : memref<!tpu.dma_semaphore, #tpu.memory_space<semaphore_mem>>) src(%arg6 : memref<16x1000xf32, #tpu.memory_space<vmem>>) dst(%dma_wait3A_55 : memref<16x1000xf32, #tpu.memory_space<hbm>>)
    %add3A_56 = arith.constant 97 : i32
    %add3A_57 = arith.addi %mul3A_2, %add3A_56 : i32
    %dma_wait3A_58 = arith.constant 0 : i32
    %dma_wait3A_59 = arith.constant 0 : i32
    %dma_wait3A_60 = tpu.memref_slice %arg4[%add3A_57, %dma_wait3A_58, %dma_wait3A_59] : memref<3200x16x1000xf32, #tpu.memory_space<hbm>> -> memref<1x16x1000xf32, #tpu.memory_space<hbm>>
    %dma_wait3A_61 = tpu.memref_squeeze %dma_wait3A_60 : memref<1x16x1000xf32, #tpu.memory_space<hbm>> -> memref<16x1000xf32, #tpu.memory_space<hbm>>
    %dma_wait3A_62 = arith.constant 0 : i32
    %dma_wait3A_63 = arith.constant 0 : i32
    %dma_wait3A_64 = tpu.memref_slice %arg4[%add3A_57, %dma_wait3A_62, %dma_wait3A_63] : memref<3200x16x1000xf32, #tpu.memory_space<hbm>> -> memref<1x16x1000xf32, #tpu.memory_space<hbm>>
    %dma_wait3A_65 = tpu.memref_squeeze %dma_wait3A_64 : memref<1x16x1000xf32, #tpu.memory_space<hbm>> -> memref<16x1000xf32, #tpu.memory_space<hbm>>
    tpu.wait_dma2 semaphore(%arg16 : memref<!tpu.dma_semaphore, #tpu.memory_space<semaphore_mem>>) src(%arg7 : memref<16x1000xf32, #tpu.memory_space<vmem>>) dst(%dma_wait3A_65 : memref<16x1000xf32, #tpu.memory_space<hbm>>)
    %add3A_66 = arith.constant 98 : i32
    %add3A_67 = arith.addi %mul3A_2, %add3A_66 : i32
    %dma_wait3A_68 = arith.constant 0 : i32
    %dma_wait3A_69 = arith.constant 0 : i32
    %dma_wait3A_70 = tpu.memref_slice %arg4[%add3A_67, %dma_wait3A_68, %dma_wait3A_69] : memref<3200x16x1000xf32, #tpu.memory_space<hbm>> -> memref<1x16x1000xf32, #tpu.memory_space<hbm>>
    %dma_wait3A_71 = tpu.memref_squeeze %dma_wait3A_70 : memref<1x16x1000xf32, #tpu.memory_space<hbm>> -> memref<16x1000xf32, #tpu.memory_space<hbm>>
    %dma_wait3A_72 = arith.constant 0 : i32
    %dma_wait3A_73 = arith.constant 0 : i32
    %dma_wait3A_74 = tpu.memref_slice %arg4[%add3A_67, %dma_wait3A_72, %dma_wait3A_73] : memref<3200x16x1000xf32, #tpu.memory_space<hbm>> -> memref<1x16x1000xf32, #tpu.memory_space<hbm>>
    %dma_wait3A_75 = tpu.memref_squeeze %dma_wait3A_74 : memref<1x16x1000xf32, #tpu.memory_space<hbm>> -> memref<16x1000xf32, #tpu.memory_space<hbm>>
    tpu.wait_dma2 semaphore(%arg17 : memref<!tpu.dma_semaphore, #tpu.memory_space<semaphore_mem>>) src(%arg8 : memref<16x1000xf32, #tpu.memory_space<vmem>>) dst(%dma_wait3A_75 : memref<16x1000xf32, #tpu.memory_space<hbm>>)
    %add3A_76 = arith.constant 99 : i32
    %add3A_77 = arith.addi %mul3A_2, %add3A_76 : i32
    %dma_wait3A_78 = arith.constant 0 : i32
    %dma_wait3A_79 = arith.constant 0 : i32
    %dma_wait3A_80 = tpu.memref_slice %arg4[%add3A_77, %dma_wait3A_78, %dma_wait3A_79] : memref<3200x16x1000xf32, #tpu.memory_space<hbm>> -> memref<1x16x1000xf32, #tpu.memory_space<hbm>>
    %dma_wait3A_81 = tpu.memref_squeeze %dma_wait3A_80 : memref<1x16x1000xf32, #tpu.memory_space<hbm>> -> memref<16x1000xf32, #tpu.memory_space<hbm>>
    %dma_wait3A_82 = arith.constant 0 : i32
    %dma_wait3A_83 = arith.constant 0 : i32
    %dma_wait3A_84 = tpu.memref_slice %arg4[%add3A_77, %dma_wait3A_82, %dma_wait3A_83] : memref<3200x16x1000xf32, #tpu.memory_space<hbm>> -> memref<1x16x1000xf32, #tpu.memory_space<hbm>>
    %dma_wait3A_85 = tpu.memref_squeeze %dma_wait3A_84 : memref<1x16x1000xf32, #tpu.memory_space<hbm>> -> memref<16x1000xf32, #tpu.memory_space<hbm>>
    tpu.wait_dma2 semaphore(%arg18 : memref<!tpu.dma_semaphore, #tpu.memory_space<semaphore_mem>>) src(%arg9 : memref<16x1000xf32, #tpu.memory_space<vmem>>) dst(%dma_wait3A_85 : memref<16x1000xf32, #tpu.memory_space<hbm>>)
    return
  }
}

module attributes {stable_mosaic.version = 14 : i64} {
  func.func @_table_body(%arg0: memref<1000x64xf32, #tpu.memory_space<vmem>>, %arg1: memref<1000x64xf32, #tpu.memory_space<vmem>>, %arg2: memref<1x1000xf32, #tpu.memory_space<vmem>>, %arg3: memref<1000x1000xf32, #tpu.memory_space<vmem>>) attributes {dimension_semantics = [], scalar_prefetch = 0 : i64, scratch_operands = 0 : i64, tpu.core_type = #tpu.core_type<tc>} {
    %get3A = arith.constant 0 : index
    %get3A_0 = arith.constant 0 : index
    %get3A_1 = vector.load %arg0[%get3A, %get3A_0] : memref<1000x64xf32, #tpu.memory_space<vmem>>, vector<1000x64xf32>
    %get3A_2 = arith.constant 0 : index
    %get3A_3 = arith.constant 0 : index
    %get3A_4 = vector.load %arg1[%get3A_2, %get3A_3] : memref<1000x64xf32, #tpu.memory_space<vmem>>, vector<1000x64xf32>
    %dot_general3A = arith.constant dense<0.000000e+00> : vector<1000x1000xf32>
    %dot_general3A_5 = tpu.matmul %get3A_1, %get3A_4, %dot_general3A {dimension_numbers = #tpu.dot_dimension_numbers<[1], [1], [0], [0], [0, 0, 1, 0], [], []>, transpose_lhs_hint = false} : vector<1000x64xf32>, vector<1000x64xf32>, vector<1000x1000xf32> -> vector<1000x1000xf32>
    %get3A_6 = arith.constant 0 : index
    %get3A_7 = arith.constant 0 : index
    %get3A_8 = vector.load %arg2[%get3A_6, %get3A_7] : memref<1x1000xf32, #tpu.memory_space<vmem>>, vector<1x1000xf32>
    %add3A = vector.broadcast %get3A_8 : vector<1x1000xf32> to vector<1000x1000xf32>
    %add3A_9 = arith.addf %dot_general3A_5, %add3A : vector<1000x1000xf32>
    %swap3A = arith.constant 0 : index
    %swap3A_10 = arith.constant 0 : index
    %swap3A_11 = vector.load %arg3[%swap3A, %swap3A_10] : memref<1000x1000xf32, #tpu.memory_space<vmem>>, vector<1000x1000xf32>
    tpu.vector_store %arg3[%swap3A, %swap3A_10], %add3A_9 {strides = array<i32>} : memref<1000x1000xf32, #tpu.memory_space<vmem>>, vector<1000x1000xf32>,
    return
  }
}

</mosaic_0001>

<sc_bundles>
// kernel: kernel.4.cloned.1.call-start
scs
__scs_entry_jumppad:
0x0: {  	(pc) =	sbr.rel $0x88, $3  }
0x1: {  	(tag) =	ssettag $0x0;
	lr =	simm.s32 $0x1  }
0x2: {  	[smem:$0x3F9D] =	sst lr;
	_ =	strace $0xD0000000  }
0x3: {  	_ = 	snop  }
0x4: {  	_ = 	snop  }
0x5: {  	_ = 	snop  }
0x6: {  	_ = 	snop  }
0x7: {  	_ = 	snop  }
__scs_overlays_trampoline_lowered:
0x8: {  	[smem:$0x3FAC] =	sst s0  }
0x9: {  	[smem:$0x3FAD] =	sst s1  }
0xa: {  	[smem:$0x3FAE] =	sst s2  }
0xb: {  	[smem:$0x3FAF] =	sst s3  }
0xc: {  	[smem:$0x3FB0] =	sst s4  }
0xd: {  	[smem:$0x3FB1] =	sst s5  }
0xe: {  	[smem:$0x3FB2] =	sst s6  }
0xf: {  	[smem:$0x3FB3] =	sst s7  }
0x10: {  	[smem:$0x3FB4] =	sst s8  }
0x11: {  	[smem:$0x3FB5] =	sst s9;
	s0 =	simm.s32 @!p0 $0x0  }
0x12: {  	s1 =	sld [smem:$0x3F9B];
	s0 =	simm.s32 @p0 $0x1  }
0x13: {  	[smem:$0x3FB6] =	sst s0;
	s0 =	simm.s32 @!p1 $0x0  }
0x14: {  	s2 =	sld [smem:$0x3F9A];
	s0 =	simm.s32 @p1 $0x1  }
0x15: {  	[smem:$0x3FB7] =	sst s0;
	s0 =	simm.s32 @!p2 $0x0  }
0x16: {  	s3 =	sld [smem:$0x3FDB];
	s0 =	simm.s32 @p2 $0x1  }
0x17: {  	s4 =	simm.s32 $0x1BF5;
	[smem:$0x3FB9] =	sst s0  }
0x18: {  	s0 =	sld [smem:$0x3F9C];
	_ =	swait.ge [sflag:s4], $0x0  }
0x19: {  	s7 =	sld [smem:$0x3F9D]  }
0x1a: {  	s8 =	sadd.s32 $0xFFFFE003, lr  }
0x1b: {  	s9 =	sadd.s32 $0xFFFFFEF7, lr;
	s5 =	simm.s32 $0xFFFFFFFF;
	p2 =	slt.u32 s8, $0xFFFFF086  }
0x1c: {  	p1 =	slt.u32 s9, $0xF7A;
	s5 =	simm.s32 @!p2 $0x0  }
0x1d: {  	s5 =	simm.s32 @p1 $0x1;
	p0 =	seq.s32 s7, s2  }
0x1e: {  	s7 =	smul.u32 @!p0 $0xF7A, s2;
	p2 =	seq.s32 @!p0 s5, $0x0  }
0x1f: {  	s9 =	smul.u32 $0xF7A, s1;
	s8 =	simm.s32 @!p0 $0x1BF5;
	p2 =	por !p2, p0  }
0x20: {  	[sflag:s8] =	ssyncset.s32 @!p0 $0xFFFFF086;
	s6 =	sadd.s32 @!p0 s3, s7;
	s7 =	simm.s32 @!p0 $0x108  }
0x21: {  	s3 =	sadd.s32 s3, s9;
	s6 =	sadd.s32 @!p0 $0x88, s6;
	s7 =	simm.s32 @p2 $0x1082  }
0x22: {  	[simem:s7], [sflag:s8] =	dma.local @!p0 [hbm:s6], $0xF7A  }
0x23: {  	s9 =	sor.u32 $0xD0000000, s2;
	s6 =	simm.s32 $0x108;
	_ =	swait.ge @!p0 [sflag:s8], $0x0  }
0x24: {  	s3 =	sadd.s32 $0x88, s3;
	s6 =	simm.s32 @!p1 $0x1082;
	[sflag:s4] =	ssyncset.s32 $0xFFFFF086  }
0x25: {  	[simem:s6], [sflag:s4] =	dma.local [hbm:s3], $0xF7A  }
0x26: {  	[smem:$0x3F9D] =	sst s1;
	(tag) =	ssettag s2;
	_ =	strace s9  }
0x27: {  	s1 =	sld [smem:$0x3FAD]  }
0x28: {  	s2 =	sld [smem:$0x3FAE]  }
0x29: {  	s4 =	sld [smem:$0x3FB0]  }
0x2a: {  	p0 =	seq.s32 s5, $0x0;
	s5 =	sld [smem:$0x3FB1]  }
0x2b: {  	s6 =	sld [smem:$0x3FB2]  }
0x2c: {  	s7 =	sld [smem:$0x3FB3]  }
0x2d: {  	s3 =	simm.s32 $0x108;
	s8 =	sld [smem:$0x3FB4]  }
0x2e: {  	s3 =	simm.s32 @!p0 $0x1082;
	s9 =	sld [smem:$0x3FB5]  }
0x2f: {  	lr =	sadd.s32 s0, s3;
	s0 =	sld [smem:$0x3FAC]  }
0x30: {  	s3 =	sld [smem:$0x3FAF]  }
0x31: {  	[smem:$0x3FB8] =	sst s10  }
0x32: {  	s10 =	sld [smem:$0x3FB6];
	_ =	sdelay $0x3  }
0x33: {  	p0 =	seq.s32 s10, $0x1;
	s10 =	sld [smem:$0x3FB8];
	_ =	sdelay $0x3  }
0x34: {  	[smem:$0x3FB8] =	sst s10  }
0x35: {  	s10 =	sld [smem:$0x3FB7];
	_ =	sdelay $0x3  }
0x36: {  	p1 =	seq.s32 s10, $0x1;
	s10 =	sld [smem:$0x3FB8];
	_ =	sdelay $0x3  }
0x37: {  	[smem:$0x3FB8] =	sst s10  }
0x38: {  	s10 =	sld [smem:$0x3FB9]  }
0x39: {  	_ = 	snop;
	(pc) =	sbr.ind lr, $3  }
0x3a: {  	_ = 	snop  }
0x3b: {  	_ = 	snop  }
0x3c: {  	p2 =	seq.s32 s10, $0x1;
	s10 =	sld [smem:$0x3FB8]  }
0x3d: {  	_ =	shalt  }
0x3e: {  	_ =	shalt  }
0x3f: {  	_ =	shalt  }
0x40: {  	_ =	shalt  }
0x41: {  	_ =	shalt  }
0x42: {  	_ =	shalt  }
0x43: {  	_ =	shalt  }
0x44: {  	_ =	shalt  }
0x45: {  	_ =	shalt  }
0x46: {  	_ =	shalt  }
0x47: {  	_ =	shalt  }
0x48: {  	_ =	shalt  }
0x49: {  	_ =	shalt  }
0x4a: {  	_ =	shalt  }
0x4b: {  	_ =	shalt  }
0x4c: {  	_ =	shalt  }
0x4d: {  	_ =	shalt  }
0x4e: {  	_ =	shalt  }
0x4f: {  	_ =	shalt  }
0x50: {  	_ =	shalt  }
0x51: {  	_ =	shalt  }
0x52: {  	_ =	shalt  }
0x53: {  	_ =	shalt  }
0x54: {  	_ =	shalt  }
0x55: {  	_ =	shalt  }
0x56: {  	_ =	shalt  }
0x57: {  	_ =	shalt  }
0x58: {  	_ =	shalt  }
0x59: {  	_ =	shalt  }
0x5a: {  	_ =	shalt  }
0x5b: {  	_ =	shalt  }
0x5c: {  	_ =	shalt  }
0x5d: {  	_ =	shalt  }
0x5e: {  	_ =	shalt  }
0x5f: {  	_ =	shalt  }
0x60: {  	_ =	shalt  }
0x61: {  	_ =	shalt  }
0x62: {  	_ =	shalt  }
0x63: {  	_ =	shalt  }
0x64: {  	_ =	shalt  }
0x65: {  	_ =	shalt  }
0x66: {  	_ =	shalt  }
0x67: {  	_ =	shalt  }
0x68: {  	_ =	shalt  }
0x69: {  	_ =	shalt  }
0x6a: {  	_ =	shalt  }
0x6b: {  	_ =	shalt  }
0x6c: {  	_ =	shalt  }
0x6d: {  	_ =	shalt  }
0x6e: {  	_ =	shalt  }
0x6f: {  	_ =	shalt  }
0x70: {  	_ =	shalt  }
0x71: {  	_ =	shalt  }
0x72: {  	_ =	shalt  }
0x73: {  	_ =	shalt  }
0x74: {  	_ =	shalt  }
0x75: {  	_ =	shalt  }
0x76: {  	_ =	shalt  }
0x77: {  	_ =	shalt  }
0x78: {  	_ =	shalt  }
0x79: {  	_ =	shalt  }
0x7a: {  	_ =	shalt  }
0x7b: {  	_ =	shalt  }
0x7c: {  	_ =	shalt  }
0x7d: {  	_ =	shalt  }
0x7e: {  	_ =	shalt  }
0x7f: {  	_ =	shalt  }
0x80: {  	_ =	shalt  }
0x81: {  	_ =	shalt  }
0x82: {  	_ =	shalt  }
0x83: {  	_ =	shalt  }
0x84: {  	_ =	shalt  }
0x85: {  	_ =	shalt  }
0x86: {  	_ =	shalt  }
0x87: {  	_ =	shalt  }
.Lfunc_end0:
.L_simem_size_0:
called_computation.1_lowered:
.L_overlay_start_0:
0x88: {  	s2 =	sld [smem:$0x3FD9]  }
0x89: {  	s3 =	sld [smem:$0x3FFE];
	_ =	sdelay $0x1  }
0x8a: {  	s1 =	srdreg.scid  }
0x8b: {  	s0 =	sand.u32 $0x1, s1  }
0x8c: {  	s17 =	sshll.u32 s0, $0xA;
	s2 =	sadd.s32 s3, s2  }
0x8d: {  	s2 =	sadd.s32 s2, s17  }
0x8e: {  	[smem:$0x3FC4] =	sst s2  }
0x8f: {  	_ = 	snop  }
0x90: {  	s2 =	sld [smem:$0x3FD0];
	(tm) =	ssettm $0x1  }
0x91: {  	s18 =	sld [smem:$0x3FFB];
	_ =	sdelay $0x3  }
0x92: {  	_ =	strace s18  }
0x93: {  	s3 =	sld [smem:$0x3FFC];
	_ =	sdelay $0x3  }
0x94: {  	_ =	strace s3  }
0x95: {  	s3 =	sld [smem:$0x3FFD];
	_ =	sdelay $0x3  }
0x96: {  	_ =	strace s3  }
0x97: {  	_ =	strace $0x8FFFFFFF  }
0x98: {  	s19 =	sld [smem:$0x3FDB];
	_ =	sdelay $0x1  }
0x99: {  	s4 =	simm.s32 $_scs_section_size  }
0x9a: {  	s5 =	simm.s32 $_size__tile_overlayer_lowered;
	s6 =	simm.s32 $_tile_overlayer_lowered  }
0x9b: {  	s22 =	simm.s32 $0x1BFF;
	s21 =	sshll.u32 s6, $0x1;
	s3 =	sadd.s32 s4, s19  }
0x9c: {  	s7 =	simm.s32 $0x0;
	s20 =	sshll.u32 s5, $0x1;
	s5 =	sadd.s32 s21, s3  }
0x9d: {  	[timem:s7], [sflag:s22] =	dma.local [hbm:s5], s20  }
0x9e: {  	_ =	swait.ge [sflag:s22], s20  }
0x9f: {  	s4 =	ssub.s32 $0x0, s20;
	[sflag:s22] =	ssyncset.done $0x0  }
0xa0: {  	[sflag:s22] =	ssyncadd.s32 s4;
	_ =	sdelay $0x1  }
0xa1: {  	s23 =	simm.s32 $0x1B8B  }
0xa2: {  	_ =	swait.ge [sflag:s23], $0x1  }
0xa3: {  	[sflag:s23] =	ssyncset.done $0x0  }
0xa4: {  	s25 =	simm.s32 $0x1B8E;
	s24 =	sld [smem:$0x3FFE];
	[sflag:s23] =	ssyncadd.s32 $0xFFFFFFFF  }
0xa5: {  	s26 =	simm.s32 $execute0_lowered;
	[smem:$0x3FD2] =	sst s25  }
0xa6: {  	s5 =	sshll.u32 s26, $0x1;
	_ =	strace $0x80000046;
	[dreg:$0x1] =	wrdreg $0xFFFFFFFF  }
0xa7: {  	s28 =	simm.s32 $_size_execute0_lowered;
	s3 =	sadd.s32 s3, s5;
	[dreg:$0x0] =	wrdreg $0x0  }
0xa8: {  	s5 =	sshll.u32 s28, $0x1;
	[dreg:$0x2] =	wrdreg s3  }
0xa9: {  	[dreg:$0x3] =	wrdreg s5  }
0xaa: {  	[dreg:$0x4] =	wrdreg $0xC0  }
0xab: {  	_ =	task [dreg:s7], $0x5FFFF  }
0xac: {  	[dreg:$0x1] =	wrdreg $0xFFFFFFFF  }
0xad: {  	[dreg:$0x0] =	wrdreg $0x60  }
0xae: {  	[dreg:$0x2] =	wrdreg s24  }
0xaf: {  	[dreg:$0x3] =	wrdreg s2  }
0xb0: {  	[dreg:$0x4] =	wrdreg $0x100400  }
0xb1: {  	[dreg:$0x5] =	wrdreg $0x9  }
0xb2: {  	_ =	task.clear_ibuf [dreg:s7], $0x6FFFF;
	_ =	strace $0x90000046  }
0xb3: {  	s29 =	simm.s32 $0x9;
	_ =	strace $0x80000048  }
0xb4: {  	_ =	swait.ge [sflag:s29], $0x1  }
0xb5: {  	[sflag:s29] =	ssyncadd.s32 $0xFFFFFFFF  }
0xb6: {  	_ =	strace $0x90000048  }
0xb7: {  	_ =	sfence  }
0xb8: {  	s30 =	sld [smem:$0x0];
	_ =	sdelay $0x2  }
0xb9: {  	s31 =	sshll.u32 s1, $0xD;
	s1 =	sshrl.u32 s1, $0x2  }
0xba: {  	s3 =	sand.u32 $0x4000, s31;
	s1 =	sadd.s32 s1, s30  }
0xbb: {  	s0 =	sor.u32 s3, s0;
	s1 =	sshll.u32 s1, $0x11  }
0xbc: {  	s0 =	sor.u32 s1, s0  }
0xbd: {  	s0 =	sadd.s32 $0x8F2B, s0  }
0xbe: {  	[sflag:s0] =	ssyncadd.remote.s32 $0x1  }
0xbf: {  	_ =	sfence.sel $0xFFFF  }
0xc0: {  	[dreg:$0x0] =	wrdreg $0xFFFFFFFF;
	(pc) =	sbr.abs _section_cstart, $3  }
0xc1: {  	[dreg:$0x1] =	wrdreg $0xFFFFFFFF  }
0xc2: {  	_ =	task.clear_ibuf [dreg:s7], $0x2FFFF;
	_ =	strace $0x9FFFFFFF  }
0xc3: {  	(tm) =	ssettm $0x7FFFFFFF  }
tec
execute0_lowered:
.L_overlay_start_1:
0x0: {  	(tag) =	ssettag $0x1  }
0x1: {  	s0 =	rddreg [dreg:$0x0]  }
0x2: {  	s1 =	rddreg [dreg:$0x1]  }
0x3: {  	s2 =	rddreg [dreg:$0x2]  }
0x4: {  	s15 =	stileid.u32;
	s4 =	srdreg.scid;
	s3 =	simm.s32 $0x0  }
0x5: {  	s13 =	simm.s32 $0x9;
	s17 =	simm.s32 $0x10;
	s18 =	simm.s32 $0x640  }
0x6: {  	s19 =	simm.s32 $0x44C0;
	s21 =	simm.s32 $0x8340;
	s28 =	simm.s32 $0x4  }
0x7: {  	s29 =	simm.s32 $0x5;
	s30 =	simm.s32 $0x6;
	s6 =	smul.u32 $0xF618, s15  }
0x8: {  	s31 =	simm.s32 $0x7;
	s4 =	sand.u32 $0x1, s4;
	s11 =	smul.u32 $0x3D860, s15  }
0x9: {  	s5 =	sshll.u32 s15, $0x1;
	[smem:$0x7FF] =	sst s3;
	s26 =	smul.u32 $0x61A80, s15  }
0xa: {  	s5 =	sor.u32 s4, s5;
	s8 =	ssub.s32 $0x2, s4;
	s4 =	smul.u32 $0x30D40, s4  }
0xb: {  	p0 =	seq.s32 s15, $0xF;
	_ =	strace $0x80000047;
	s7 =	smul.u32 $0xC8, s5  }
0xc: {  	s9 =	sshrl.u32 s6, $0x3;
	s10 =	sshrl.u32 s8, $0x1;
	s22 =	sshrl.u32 s11, $0x2  }
0xd: {  	s23 =	smul.u32 $0x30D40, s5;
	s16 =	sadd.s32 s6, s2;
	s9 =	sadd.s32 s9, s0  }
0xe: {  	s8 =	ssub.s32 s8, s10;
	s14 =	sadd.s32 s22, s2;
	s16 =	sshrl.u32 @!p0 s16, $0x3  }
0xf: {  	s7 =	sadd.s32 s7, s0;
	s24 =	sadd.s32 $0x2400, s9;
	s0 =	sadd.s32 $0x1F16D, s0  }
0x10: {  	s25 =	sadd.s32 s1, s23;
	s1 =	sadd.s32 s26, s1;
	s14 =	sshrl.u32 @p0 s14, $0x3  }
0x11: {  	s23 =	simm.s32 $0xC1C0;
	s26 =	simm.s32 $0x3;
	[dreg:$0x5] =	wrdreg s24  }
0x12: {  	s7 =	sadd.s32 $0xA00, s7;
	[dreg:$0x6] =	wrdreg s0;
	s9 =	sadd.s32 $0x2F5D0, s25  }
0x13: {  	s10 =	sadd.s32 $0x2FDA0, s25;
	s11 =	sadd.s32 $0x30570, s25;
	s12 =	sadd.s32 s4, s1  }
0x14: {  	s0 =	sshll.u32 @!p0 s15, $0x6;
	s24 =	simm.s32 $0x1;
	s1 =	simm.s32 $0x0  }
0x15: {  	[dreg:$0x4] =	wrdreg s7;
	s7 =	smax.u32 s8, $0x1;
	s8 =	sadd.s32 $0x2EE00, s25  }
0x16: {  	s15 =	sor.u32 @!p0 $0x1C09, s0;
	s25 =	simm.s32 $0x2;
	s0 =	simm.s32 $0x8  }
.LBB2_1:
0x17: {  	s4 =	rddreg [dreg:$0x4]  }
0x18: {  	[tilespmem:s3], [sflag:$0x9] =	stream.linear.gather [hbm4b:s4+s3], $0x640, $0x38;
	[tilespmem:$0x1F468] =	vst v63  }
0x19: {  	_ =	swait.ge [sflag:s13], $0x640  }
0x1a: {  	[sflag:s13] =	ssyncset.done $0x0  }
0x1b: {  	s4 =	simm.s32 @p0 $0x1FC9;
	s5 =	rddreg [dreg:$0x6];
	[sflag:s13] =	ssyncadd.s32 $0xFFFFF9C0  }
0x1c: {  	[spmem:s14], [sflag:s4] =	dma.local @p0 [hbm:s5], $0x1ADB  }
0x1d: {  	s4 =	simm.s32 @p0 $0x9  }
0x1e: {  	_ =	swait.ge @p0 [sflag:s4], $0x1ADB  }
0x1f: {  	[sflag:s4] =	ssyncset.done @p0 $0x0  }
0x20: {  	[sflag:s4] =	ssyncadd.s32 @p0 $0xFFFFE525;
	s4 =	rddreg [dreg:$0x5]  }
0x21: {  	[spmem:s16], [sflag:s15] =	dma.local @!p0 [hbm:s4], $0x1EC3  }
0x22: {  	s4 =	simm.s32 @!p0 $0x9  }
0x23: {  	_ =	swait.ge @!p0 [sflag:s4], $0x1EC3  }
0x24: {  	[sflag:s4] =	ssyncset.done @!p0 $0x0  }
0x25: {  	[sflag:s4] =	ssyncadd.s32 @!p0 $0xFFFFE13D  }
0x26: {  	[bflag:$0x0] =	sbarrier.arrive $0xFFFF  }
0x27: {  	[tilespmem:s18], [sflag:$0x1] =	stream.indirect.gather [spmem:s2], $0x3E8, s3, s17, $0xb8;
	[tilespmem:$0x1F468] =	vst v63  }
0x28: {  	_ = 	snop  }
0x29: {  	[tilespmem:s19], [sflag:$0x2] =	stream.indirect.gather [spmem:s2], $0x3E8, s17, s17, $0xb8;
	[tilespmem:$0x1F468] =	vst v63  }
0x2a: {  	s6 =	simm.s32 $0x20  }
0x2b: {  	[tilespmem:s21], [sflag:$0x3] =	stream.indirect.gather [spmem:s2], $0x3E8, s6, s17, $0xb8;
	[tilespmem:$0x1F468] =	vst v63  }
0x2c: {  	s20 =	simm.s32 $0x30  }
0x2d: {  	[tilespmem:s23], [sflag:$0x4] =	stream.indirect.gather [spmem:s2], $0x3E8, s20, s17, $0xb8;
	[tilespmem:$0x1F468] =	vst v63  }
0x2e: {  	_ =	swait.ge [sflag:s24], $0x3E80  }
0x2f: {  	[sflag:s24] =	ssyncset.done $0x0  }
0x30: {  	s22 =	sadd.s32 $0x0, s12;
	[sflag:s24] =	ssyncadd.s32 $0xFFFFC180  }
0x31: {  	[hbm4b:s22+s3] =	stream.linear.scatter [tilespmem:s18], [sflag:$0x5], $0x3E80, $0x38;
	[tilespmem:$0x1F468] =	vst v63  }
0x32: {  	_ =	swait.ge [sflag:s25], $0x3E80  }
0x33: {  	[sflag:s25] =	ssyncset.done $0x0  }
0x34: {  	s20 =	sadd.s32 $0x7D0, s22;
	[sflag:s25] =	ssyncadd.s32 $0xFFFFC180  }
0x35: {  	[hbm4b:s20+s3] =	stream.linear.scatter [tilespmem:s19], [sflag:$0x6], $0x3E80, $0x38;
	[tilespmem:$0x1F468] =	vst v63  }
0x36: {  	_ =	swait.ge [sflag:s26], $0x3E80  }
0x37: {  	[sflag:s26] =	ssyncset.done $0x0  }
0x38: {  	s5 =	sadd.s32 $0xFA0, s22;
	[sflag:s26] =	ssyncadd.s32 $0xFFFFC180  }
0x39: {  	[hbm4b:s5+s3] =	stream.linear.scatter [tilespmem:s21], [sflag:$0x7], $0x3E80, $0x38;
	[tilespmem:$0x1F468] =	vst v63  }
0x3a: {  	_ =	swait.ge [sflag:s28], $0x3E80  }
0x3b: {  	[sflag:s28] =	ssyncset.done $0x0  }
0x3c: {  	s4 =	sadd.s32 $0x1770, s22;
	[sflag:s28] =	ssyncadd.s32 $0xFFFFC180  }
0x3d: {  	[hbm4b:s4+s3] =	stream.linear.scatter [tilespmem:s23], [sflag:$0x8], $0x3E80, $0x38;
	[tilespmem:$0x1F468] =	vst v63  }
0x3e: {  	_ =	swait.ge [sflag:s29], $0x3E80  }
0x3f: {  	[sflag:s29] =	ssyncset.done $0x0  }
0x40: {  	s6 =	simm.s32 $0x40;
	[sflag:s29] =	ssyncadd.s32 $0xFFFFC180  }
0x41: {  	[tilespmem:s18], [sflag:$0x1] =	stream.indirect.gather [spmem:s2], $0x3E8, s6, s17, $0xb8;
	[tilespmem:$0x1F468] =	vst v63  }
0x42: {  	_ =	swait.ge [sflag:s30], $0x3E80  }
0x43: {  	[sflag:s30] =	ssyncset.done $0x0  }
0x44: {  	s20 =	simm.s32 $0x50;
	[sflag:s30] =	ssyncadd.s32 $0xFFFFC180  }
0x45: {  	[tilespmem:s19], [sflag:$0x2] =	stream.indirect.gather [spmem:s2], $0x3E8, s20, s17, $0xb8;
	[tilespmem:$0x1F468] =	vst v63  }
0x46: {  	_ =	swait.ge [sflag:s31], $0x3E80  }
0x47: {  	[sflag:s31] =	ssyncset.done $0x0  }
0x48: {  	s22 =	simm.s32 $0x60;
	[sflag:s31] =	ssyncadd.s32 $0xFFFFC180  }
0x49: {  	[tilespmem:s21], [sflag:$0x3] =	stream.indirect.gather [spmem:s2], $0x3E8, s22, s17, $0xb8;
	[tilespmem:$0x1F468] =	vst v63  }
0x4a: {  	_ =	swait.ge [sflag:s0], $0x3E80  }
0x4b: {  	s4 =	simm.s32 $0xB0;
	[sflag:s0] =	ssyncset.done $0x0  }
0x4c: {  	s20 =	simm.s32 $0x70;
	s22 =	simm.s32 $0x1F40;
	[sflag:s0] =	ssyncadd.s32 $0xFFFFC180  }
.LBB2_2:
0x4d: {  	[tilespmem:s23], [sflag:$0x4] =	stream.indirect.gather [spmem:s2], $0x3E8, s20, s17, $0xb8;
	[tilespmem:$0x1F468] =	vst v63  }
0x4e: {  	s5 =	smov.u32 s22;
	s20 =	smov.u32 s4  }
0x4f: {  	p1 =	sne.s32 s22, $0x2CEC0;
	s22 =	sadd.s32 $0x1F40, s22;
	_ =	swait.ge [sflag:s24], $0x3E80  }
0x50: {  	[sflag:s24] =	ssyncset.done $0x0  }
0x51: {  	s5 =	sadd.s32 s5, s12;
	[sflag:s24] =	ssyncadd.s32 $0xFFFFC180  }
0x52: {  	[hbm4b:s5+s3] =	stream.linear.scatter [tilespmem:s18], [sflag:$0x5], $0x3E80, $0x38;
	[tilespmem:$0x1F468] =	vst v63  }
0x53: {  	_ =	swait.ge [sflag:s25], $0x3E80  }
0x54: {  	[sflag:s25] =	ssyncset.done $0x0  }
0x55: {  	s6 =	sadd.s32 $0x7D0, s5;
	[sflag:s25] =	ssyncadd.s32 $0xFFFFC180  }
0x56: {  	[hbm4b:s6+s3] =	stream.linear.scatter [tilespmem:s19], [sflag:$0x6], $0x3E80, $0x38;
	[tilespmem:$0x1F468] =	vst v63  }
0x57: {  	_ =	swait.ge [sflag:s26], $0x3E80  }
0x58: {  	[sflag:s26] =	ssyncset.done $0x0  }
0x59: {  	s6 =	sadd.s32 $0xFA0, s5;
	[sflag:s26] =	ssyncadd.s32 $0xFFFFC180  }
0x5a: {  	[hbm4b:s6+s3] =	stream.linear.scatter [tilespmem:s21], [sflag:$0x7], $0x3E80, $0x38;
	[tilespmem:$0x1F468] =	vst v63  }
0x5b: {  	_ =	swait.ge [sflag:s28], $0x3E80  }
0x5c: {  	[sflag:s28] =	ssyncset.done $0x0  }
0x5d: {  	s5 =	sadd.s32 $0x1770, s5;
	[sflag:s28] =	ssyncadd.s32 $0xFFFFC180  }
0x5e: {  	[hbm4b:s5+s3] =	stream.linear.scatter [tilespmem:s23], [sflag:$0x8], $0x3E80, $0x38;
	[tilespmem:$0x1F468] =	vst v63  }
0x5f: {  	_ =	swait.ge [sflag:s29], $0x3E80  }
0x60: {  	[sflag:s29] =	ssyncset.done $0x0  }
0x61: {  	s5 =	sadd.s32 $0xFFFFFFD0, s4;
	[sflag:s29] =	ssyncadd.s32 $0xFFFFC180  }
0x62: {  	[tilespmem:s18], [sflag:$0x1] =	stream.indirect.gather [spmem:s2], $0x3E8, s5, s17, $0xb8;
	[tilespmem:$0x1F468] =	vst v63  }
0x63: {  	_ =	swait.ge [sflag:s30], $0x3E80  }
0x64: {  	[sflag:s30] =	ssyncset.done $0x0  }
0x65: {  	s5 =	sadd.s32 $0xFFFFFFE0, s4;
	[sflag:s30] =	ssyncadd.s32 $0xFFFFC180  }
0x66: {  	[tilespmem:s19], [sflag:$0x2] =	stream.indirect.gather [spmem:s2], $0x3E8, s5, s17, $0xb8;
	[tilespmem:$0x1F468] =	vst v63  }
0x67: {  	_ =	swait.ge [sflag:s31], $0x3E80  }
0x68: {  	[sflag:s31] =	ssyncset.done $0x0  }
.Ltmp0:
0x69: {  	s5 =	sadd.s32 $0xFFFFFFF0, s4;
	[sflag:s31] =	ssyncadd.s32 $0xFFFFC180;
	(pc) =	sbr.rel @p1 .LBB2_2-.Ltmp0, $4  }
0x6a: {  	[tilespmem:s21], [sflag:$0x3] =	stream.indirect.gather [spmem:s2], $0x3E8, s5, s17, $0xb8;
	[tilespmem:$0x1F468] =	vst v63  }
0x6b: {  	_ =	swait.ge [sflag:s0], $0x3E80  }
0x6c: {  	[sflag:s0] =	ssyncset.done $0x0  }
0x6d: {  	s4 =	sadd.s32 $0x40, s4;
	[sflag:s0] =	ssyncadd.s32 $0xFFFFC180  }
0x6e: {  	[tilespmem:s23], [sflag:$0x4] =	stream.indirect.gather [spmem:s2], $0x3E8, s20, s17, $0xb8;
	[tilespmem:$0x1F468] =	vst v63  }
0x6f: {  	_ =	swait.ge [sflag:s24], $0x3E80  }
0x70: {  	[sflag:s24] =	ssyncset.done $0x0  }
0x71: {  	[sflag:s24] =	ssyncadd.s32 $0xFFFFC180  }
0x72: {  	[hbm4b:s8+s3] =	stream.linear.scatter [tilespmem:s18], [sflag:$0x5], $0x3E80, $0x38;
	[tilespmem:$0x1F468] =	vst v63  }
0x73: {  	_ =	swait.ge [sflag:s25], $0x3E80  }
0x74: {  	[sflag:s25] =	ssyncset.done $0x0  }
0x75: {  	[sflag:s25] =	ssyncadd.s32 $0xFFFFC180  }
0x76: {  	[hbm4b:s9+s3] =	stream.linear.scatter [tilespmem:s19], [sflag:$0x6], $0x3E80, $0x38;
	[tilespmem:$0x1F468] =	vst v63  }
0x77: {  	_ =	swait.ge [sflag:s26], $0x3E80  }
0x78: {  	[sflag:s26] =	ssyncset.done $0x0  }
0x79: {  	[sflag:s26] =	ssyncadd.s32 $0xFFFFC180  }
0x7a: {  	[hbm4b:s10+s3] =	stream.linear.scatter [tilespmem:s21], [sflag:$0x7], $0x3E80, $0x38;
	[tilespmem:$0x1F468] =	vst v63  }
0x7b: {  	_ =	swait.ge [sflag:s28], $0x3E80  }
0x7c: {  	[sflag:s28] =	ssyncset.done $0x0  }
0x7d: {  	[sflag:s28] =	ssyncadd.s32 $0xFFFFC180  }
0x7e: {  	[hbm4b:s11+s3] =	stream.linear.scatter [tilespmem:s23], [sflag:$0x8], $0x3E80, $0x38;
	[tilespmem:$0x1F468] =	vst v63  }
0x7f: {  	_ =	swait.ge [sflag:s29], $0x3E80  }
0x80: {  	[sflag:s29] =	ssyncset.done $0x0  }
0x81: {  	[sflag:s29] =	ssyncadd.s32 $0xFFFFC180  }
0x82: {  	_ =	swait.ge [sflag:s30], $0x3E80  }
0x83: {  	[sflag:s30] =	ssyncset.done $0x0  }
0x84: {  	s1 =	sadd.s32 $0x1, s1;
	[sflag:s30] =	ssyncadd.s32 $0xFFFFC180  }
0x85: {  	p1 =	sne.s32 s1, s7;
	_ =	swait.ge [sflag:s31], $0x3E80  }
.Ltmp1:
0x86: {  	[sflag:s31] =	ssyncset.done $0x0;
	(pc) =	sbr.rel @p1 .LBB2_1-.Ltmp1, $4  }
0x87: {  	[sflag:s31] =	ssyncadd.s32 $0xFFFFC180  }
0x88: {  	_ =	swait.ge [sflag:s0], $0x3E80  }
0x89: {  	[sflag:s0] =	ssyncset.done $0x0  }
0x8a: {  	[sflag:s0] =	ssyncadd.s32 $0xFFFFC180  }
0x8b: {  	_ =	sfence.sel $0x180000  }
0x8c: {  	[bflag:$0x0] =	sbarrier.arrive $0xFFFF  }
0x8d: {  	_ =	strace $0x90000047  }
0x8e: {  	s0 =	stileid.u32;
	[bflag:$0x2] =	sbarrier.arrive $0xFFFF  }
0x8f: {  	p0 =	sne.s32 s0, $0x0;
	s0 =	rddreg [dreg:$0x3]  }
0x90: {  	s0 =	sadd.s32 @!p0 $0x100000, s0  }
0x91: {  	[sflag:s0] =	ssyncadd.tile.s32 @!p0 $0x1;
	_ =	shalt  }
.Lfunc_end2:
_tile_overlayer_lowered:
.L_overlay_start_2:
0x92: {  	(tag) =	ssettag $0x2  }
0x93: {  	s0 =	rddreg [dreg:$0x0];
	s2 =	stileid.u32  }
0x94: {  	s1 =	rddreg [dreg:$0x1];
	p0 =	sne.s32 s2, $0x0  }
0x95: {  	s3 =	rddreg [dreg:$0x2];
	[bflag:$0x3] =	sbarrier.arrive $0xFFFF;
	s2 =	simm.s32 @!p0 $0x1C09  }
0x96: {  	[timem:s3], [sflag:s2] =	dma.local @!p0 [hbm:s0], s1  }
0x97: {  	s0 =	simm.s32 @!p0 $0x9  }
0x98: {  	_ =	swait.ge @!p0 [sflag:s0], s1  }
0x99: {  	s1 =	ssub.s32 @!p0 $0x0, s1;
	[sflag:s0] =	ssyncset.done @!p0 $0x0  }
0x9a: {  	[sflag:s0] =	ssyncadd.s32 @!p0 s1  }
0x9b: {  	[bflag:$0x3] =	sbarrier.arrive $0xFFFF  }
0x9c: {  	_ =	shalt  }

// kernel: sparse-core-data-format-call.cloned.1.call-start
scs
called_computation_lowered:
.L_overlay_start_0:
0x0: {  	s2 =	sld [smem:$0x3FD9]  }
0x1: {  	s3 =	sld [smem:$0x3FFE];
	_ =	sdelay $0x1  }
0x2: {  	s1 =	srdreg.scid  }
0x3: {  	s0 =	sand.u32 $0x1, s1  }
0x4: {  	s18 =	sshll.u32 s0, $0xA;
	s2 =	sadd.s32 s3, s2  }
0x5: {  	s2 =	sadd.s32 s2, s18  }
0x6: {  	[smem:$0x3FC4] =	sst s2  }
0x7: {  	_ = 	snop  }
0x8: {  	s2 =	sld [smem:$0x3FD0];
	(tm) =	ssettm $0x1  }
0x9: {  	s19 =	sld [smem:$0x3FFB];
	_ =	sdelay $0x3  }
0xa: {  	_ =	strace s19  }
0xb: {  	s3 =	sld [smem:$0x3FFC];
	_ =	sdelay $0x3  }
0xc: {  	_ =	strace s3  }
0xd: {  	s3 =	sld [smem:$0x3FFD];
	_ =	sdelay $0x3  }
0xe: {  	_ =	strace s3  }
0xf: {  	_ =	strace $0x8FFFFFFF  }
0x10: {  	s20 =	sld [smem:$0x3FDB];
	_ =	sdelay $0x1  }
0x11: {  	s4 =	simm.s32 $_scs_section_size  }
0x12: {  	s5 =	simm.s32 $_size__tile_overlayer_lowered;
	s6 =	simm.s32 $_tile_overlayer_lowered  }
0x13: {  	s23 =	simm.s32 $0x1BFF;
	s22 =	sshll.u32 s6, $0x1;
	s3 =	sadd.s32 s4, s20  }
0x14: {  	s7 =	simm.s32 $0x0;
	s21 =	sshll.u32 s5, $0x1;
	s5 =	sadd.s32 s22, s3  }
0x15: {  	[timem:s7], [sflag:s23] =	dma.local [hbm:s5], s21  }
0x16: {  	_ =	swait.ge [sflag:s23], s21  }
0x17: {  	s4 =	ssub.s32 $0x0, s21;
	[sflag:s23] =	ssyncset.done $0x0  }
0x18: {  	[sflag:s23] =	ssyncadd.s32 s4;
	_ =	sdelay $0x1  }
0x19: {  	s24 =	simm.s32 $0x1B8B  }
0x1a: {  	_ =	swait.ge [sflag:s24], $0x1  }
0x1b: {  	[sflag:s24] =	ssyncset.done $0x0  }
0x1c: {  	s26 =	simm.s32 $0x1B8E;
	s25 =	sld [smem:$0x3FFE];
	[sflag:s24] =	ssyncadd.s32 $0xFFFFFFFF  }
0x1d: {  	s27 =	simm.s32 $execute0_lowered;
	[smem:$0x3FD2] =	sst s26  }
0x1e: {  	s5 =	sshll.u32 s27, $0x1;
	_ =	strace $0x80000049;
	[dreg:$0x1] =	wrdreg $0xFFFFFFFF  }
0x1f: {  	s28 =	simm.s32 $_size_execute0_lowered;
	s3 =	sadd.s32 s3, s5;
	[dreg:$0x0] =	wrdreg $0x0  }
0x20: {  	s5 =	sshll.u32 s28, $0x1;
	[dreg:$0x2] =	wrdreg s3  }
0x21: {  	[dreg:$0x3] =	wrdreg s5  }
0x22: {  	[dreg:$0x4] =	wrdreg $0xC0  }
0x23: {  	_ =	task [dreg:s7], $0x5FFFF  }
0x24: {  	[dreg:$0x1] =	wrdreg $0xFFFFFFFF  }
0x25: {  	[dreg:$0x0] =	wrdreg $0x60  }
0x26: {  	[dreg:$0x2] =	wrdreg s25  }
0x27: {  	[dreg:$0x3] =	wrdreg s2  }
0x28: {  	[dreg:$0x4] =	wrdreg $0x9  }
0x29: {  	_ =	task.clear_ibuf [dreg:s7], $0x5FFFF;
	_ =	strace $0x90000049  }
0x2a: {  	s29 =	simm.s32 $0x9;
	_ =	strace $0x8000004B  }
0x2b: {  	_ =	swait.ge [sflag:s29], $0x1  }
0x2c: {  	[sflag:s29] =	ssyncadd.s32 $0xFFFFFFFF  }
0x2d: {  	_ =	strace $0x9000004B  }
0x2e: {  	_ =	sfence  }
0x2f: {  	s30 =	sld [smem:$0x0];
	_ =	sdelay $0x2  }
0x30: {  	s31 =	sshll.u32 s1, $0xD;
	s1 =	sshrl.u32 s1, $0x2  }
0x31: {  	s3 =	sand.u32 $0x4000, s31;
	s1 =	sadd.s32 s1, s30  }
0x32: {  	s0 =	sor.u32 s3, s0;
	s1 =	sshll.u32 s1, $0x11  }
0x33: {  	s0 =	sor.u32 s1, s0  }
0x34: {  	s0 =	sadd.s32 $0x8F2B, s0  }
0x35: {  	[sflag:s0] =	ssyncadd.remote.s32 $0x1  }
0x36: {  	_ =	sfence.sel $0xFFFF  }
0x37: {  	[dreg:$0x0] =	wrdreg $0xFFFFFFFF;
	(pc) =	sbr.abs _section_cstart, $3  }
0x38: {  	[dreg:$0x1] =	wrdreg $0xFFFFFFFF  }
0x39: {  	_ =	task.clear_ibuf [dreg:s7], $0x2FFFF;
	_ =	strace $0x9FFFFFFF  }
0x3a: {  	(tm) =	ssettm $0x7FFFFFFF  }
0x3b: {  	_ =	shalt  }
tec
execute0_lowered:
.L_overlay_start_1:
0x0: {  	(tag) =	ssettag $0x1  }
0x1: {  	s4 =	rddreg [dreg:$0x0]  }
0x2: {  	s0 =	stileid.u32;
	s2 =	rddreg [dreg:$0x1]  }
0x3: {  	s7 =	srdreg.scid;
	s31 =	simm.s32 $0x2;
	s17 =	simm.s32 $0x0  }
0x4: {  	s9 =	simm.s32 $0x2000;
	s19 =	simm.s32 $0x0;
	s18 =	simm.s32 $0x0  }
0x5: {  	s10 =	simm.s32 $0x0;
	s11 =	simm.s32 $0x0;
	s1 =	sshll.u32 s0, $0x7  }
0x6: {  	s12 =	simm.s32 $0x0;
	s14 =	simm.s32 $0x0;
	s3 =	sand.u32 $0x380, s1  }
0x7: {  	s16 =	simm.s32 $0x0;
	s4 =	sadd.s32 $0xA00, s4;
	s5 =	ssub.s32 $0x400, s3  }
0x8: {  	s8 =	sshll.u32 s0, $0x4;
	s7 =	sshll.u32 s7, $0x8;
	s6 =	sand.u32 $0x380, s5  }
0x9: {  	s1 =	rddreg [dreg:$0x2];
	p0 =	sne.s32 s6, $0x0;
	s6 =	simm.s32 $0x1  }
.Ltmp0:
0xa: {  	s5 =	sshrl.u32 s5, $0xA;
	s6 =	simm.s32 @!p0 $0x0;
	(pc) =	sbr.rel .LBB1_1-.Ltmp0, $4  }
0xb: {  	_ =	strace $0x8000004A;
	s7 =	sor.u32 s8, s7;
	s6 =	sadd.s32 s6, s5  }
0xc: {  	s7 =	sand.u32 $0x180, s7;
	s5 =	simm.s32 $0x1;
	s6 =	smul.u32 $0x64, s6  }
0xd: {  	s15 =	smov.u32 s3;
	s13 =	smov.u32 s7;
	[sflag:s5] =	ssyncpa.u1 $0x0  }
0xe: {  	p0 =	por $0x0, $0x0;
	[sflag:s31] =	ssyncpa.u1 $0x0;
	s8 =	sor.u32 $0x1, s6  }
.LBB1_4:
0xf: {  	s25 =	sshll.u32 s10, $0xA;
	s24 =	sshra.s32 s24, $0x2;
	s26 =	sshll.u32 s12, $0x3  }
0x10: {  	p1 =	sgt.s32 s11, $0x31;
	s27 =	smov.u32 s11;
	s28 =	sshra.s32 s11, $0x1F  }
0x11: {  	p2 =	sgt.s32 s12, $0x380;
	s31 =	sshra.s32 s12, $0x1F;
	s25 =	sand.u32 $0xFFFFE000, s25  }
0x12: {  	s26 =	sand.u32 $0xFFFFFC00, s26;
	s27 =	simm.s32 @!p1 $0x31;
	s28 =	sand.u32 s28, s11  }
0x13: {  	[tilespmem:s22+$0x2040 ss:$0x81] =	vst.msk $0xffff, v4;
	s23 =	sadd.s32 s24, s23;
	s29 =	sadd.s32 s26, s25;
	s25 =	ssub.s32 s27, s28  }
0x14: {  	[tilespmem:s22+$0x2850 ss:$0x81] =	vst.msk $0xffff, v3;
	s27 =	smov.u32 s12;
	s28 =	smov.u32 s10;
	s26 =	sand.u32 s31, s12  }
0x15: {  	[tilespmem:s22+$0x3060 ss:$0x81] =	vst.msk $0xffff, v2;
	s24 =	sshrl.u32 s29, $0xA;
	s30 =	sadd.s32 $0xFFFFFFCF, s25;
	s27 =	simm.s32 @!p2 $0x380  }
0x16: {  	v5 =	vld [tilespmem:s21+$0xFFFFFFD0];
	[tilespmem:s22+$0x0 ss:$0x81] =	vst.msk $0xffff, v1;
	p2 =	sgt.s32 s10, $0x368;
	s29 =	sshra.s32 s10, $0x1F;
	s22 =	ssub.s32 $0x32, s25  }
0x17: {  	v58 =	vld [tilespmem:s21+$0xFFFFFFE0];
	p1 =	sgt.s32 s30, $0x0;
	s28 =	simm.s32 @!p2 $0x368;
	s29 =	sand.u32 s29, s10  }
0x18: {  	v59 =	vld [tilespmem:s21+$0xFFFFFFF0];
	s26 =	ssub.s32 s27, s26;
	s27 =	smulhi.u32 $0x418938, s24;
	s28 =	ssub.s32 s28, s29  }
0x19: {  	v60 =	vld [tilespmem:s21+$0x0];
	s30 =	sadd.s32 $0xFFFFFC80, s26;
	s25 =	ssub.s32 $0x400, s26;
	s22 =	simm.s32 @p1 $0x0  }
0x1a: {  	v61 =	vld [tilespmem:s21+$0x10];
	[tilespmem:s23+$0x3870 ss:$0x81] =	vst.msk $0xffff, v0;
	s29 =	sand.u32 $0x78, s12;
	p2 =	sgt.s32 s30, $0x7F;
	s31 =	sadd.s32 $0xFFFFFC98, s28  }
0x1b: {  	v62 =	vld [tilespmem:s21+$0x20];
	[tilespmem:s23+$0x810 ss:$0x81] =	vst.msk $0xffff, v5;
	s27 =	smul.u32 $0x3E8, s27;
	s30 =	sshll.u32 s10, $0x7;
	s28 =	ssub.s32 $0x3E8, s28  }
0x1c: {  	v63 =	vld [tilespmem:s21+$0xFFFFFFC0];
	[tilespmem:s23+$0x1020 ss:$0x81] =	vst.msk $0xffff, v58;
	s25 =	simm.s32 @p2 $0x0;
	p1 =	sgt.s32 s31, $0x7F;
	s31 =	smul.u32 $0x1F400, s11  }
0x1d: {  	[tilespmem:s23+$0x1830 ss:$0x81] =	vst.msk $0xffff, v59;
	s21 =	sand.u32 $0x380, s30;
	s22 =	smul.u32 s25, s22;
	s28 =	simm.s32 @p1 $0x0  }
0x1e: {  	[tilespmem:s23+$0x2040 ss:$0x81] =	vst.msk $0xffff, v60;
	s21 =	sor.u32 s29, s21;
	s24 =	ssub.s32 s24, s27;
	s29 =	sand.u32 $0x7, s12  }
0x1f: {  	[tilespmem:s23+$0x2850 ss:$0x81] =	vst.msk $0xffff, v61;
	s21 =	sshrl.u32 s21, $0x3;
	s25 =	sadd.s32 s2, s31;
	s22 =	smul.u32 s28, s22  }
0x20: {  	[tilespmem:s23+$0x3060 ss:$0x81] =	vst.msk $0xffff, v62;
	s24 =	sshll.u32 s24, $0x7;
	s30 =	sshll.u32 s29, $0x12;
	s21 =	sadd.s32 s21, s25  }
0x21: {  	[tilespmem:s23+$0x0 ss:$0x81] =	vst.msk $0xffff, v63;
	s31 =	sor.u32 $0x400, s30;
	s21 =	sadd.s32 s24, s21;
	s22 =	sand.u32 $0x3FFFFFFF, s22  }
0x22: {  	[hbm4b:s21+s31] =	stream.strided.scatter [tilespmem:s20], [sflag:$0x2], s22, s9, s31, $0x20;
	[tilespmem:$0x10100] =	vst v63  }
.LBB1_5:
0x23: {  	p1 =	slt.u32 s16, $0x2  }
0x24: {  	p2 =	sgt.s32 @!p1 s19, $0x31  }
0x25: {  	s20 =	smov.u32 s19;
	s21 =	sshra.s32 @!p1 s19, $0x1F;
	p2 =	por !p2, p1  }
0x26: {  	s19 =	sand.u32 @!p1 s21, s19;
	s20 =	simm.s32 @p2 $0x31  }
0x27: {  	p3 =	sgt.s32 @!p1 s17, $0x368;
	s19 =	ssub.s32 @!p1 s20, s19  }
0x28: {  	p4 =	sgt.s32 @!p1 s18, $0x380;
	s22 =	sshra.s32 @!p1 s18, $0x1F;
	s20 =	sadd.s32 @!p1 $0xFFFFFFCF, s19  }
0x29: {  	s21 =	smov.u32 s17;
	p2 =	sgt.s32 @!p1 s20, $0x0;
	s20 =	sshra.s32 @!p1 s17, $0x1F  }
0x2a: {  	p4 =	por !p4, p1;
	s17 =	sand.u32 @!p1 s20, s17;
	s20 =	smov.u32 s18  }
0x2b: {  	p3 =	por !p3, p1;
	s18 =	sand.u32 @!p1 s22, s18;
	s20 =	simm.s32 @p4 $0x380  }
0x2c: {  	s21 =	simm.s32 @p3 $0x368;
	s19 =	ssub.s32 @!p1 $0x32, s19;
	s18 =	ssub.s32 @!p1 s20, s18  }
0x2d: {  	p2 =	por !p2, p1;
	s17 =	ssub.s32 @!p1 s21, s17;
	s21 =	sadd.s32 @!p1 $0xFFFFFC80, s18  }
0x2e: {  	s19 =	simm.s32 @!p2 $0x0;
	p3 =	sgt.s32 @!p1 s21, $0x7F  }
0x2f: {  	s20 =	sadd.s32 @!p1 $0xFFFFFC98, s17;
	s18 =	ssub.s32 @!p1 $0x400, s18;
	p3 =	por !p3, p1  }
0x30: {  	p2 =	sgt.s32 @!p1 s20, $0x7F;
	s20 =	sadd.s32 $0x200, s13;
	s18 =	simm.s32 @!p3 $0x0  }
0x31: {  	p3 =	sgt.s32 s20, $0x3E7;
	s18 =	smul.u32 @!p1 s18, s19;
	s19 =	simm.s32 $0x1  }
0x32: {  	s17 =	ssub.s32 @!p1 $0x3E8, s17;
	p2 =	por !p2, p1;
	s19 =	simm.s32 @!p3 $0x0  }
0x33: {  	s22 =	smov.u32 s15;
	s17 =	simm.s32 @!p2 $0x0;
	s21 =	sadd.s32 s19, s14  }
0x34: {  	s17 =	smul.u32 @!p1 s17, s18;
	s18 =	sadd.s32 $0x400, s15;
	p2 =	sgt.s32 s21, $0x31  }
0x35: {  	p0 =	por !p0, !p0;
	s23 =	simm.s32 @!p1 $0x2;
	s22 =	smov.u32 @p2 s18  }
0x36: {  	s20 =	smov.u32 @p3 s7;
	s21 =	simm.s32 @p2 $0x0;
	p2 =	sgt.s32 s22, $0x3FF  }
0x37: {  	s19 =	smov.u32 s11;
	s22 =	smov.u32 @p2 s3;
	p2 =	sne.s32 s16, s8  }
.Ltmp1:
0x38: {  	s11 =	smov.u32 s14;
	s17 =	sand.u32 @!p1 $0x3FFFFFFF, s17;
	(pc) =	sbr.rel @!p2 .LBB1_6-.Ltmp1, $4  }
0x39: {  	s18 =	smov.u32 s12;
	s12 =	smov.u32 s15;
	_ =	swait.ge @!p1 [sflag:s23], s17  }
0x3a: {  	s24 =	ssub.s32 @!p1 $0x0, s17;
	s17 =	smov.u32 s10;
	s10 =	smov.u32 s13  }
0x3b: {  	s13 =	smov.u32 s20;
	s14 =	smov.u32 s21;
	[sflag:s23] =	ssyncset.done @!p1 $0x0  }
0x3c: {  	s16 =	sadd.s32 $0x1, s16;
	[sflag:s23] =	ssyncadd.s32 @!p1 s24;
	s15 =	smov.u32 s22  }
.LBB1_1:
0x3d: {  	p1 =	sge.u32 s16, s6  }
0x3e: {  	s20 =	sshll.u32 @!p1 s14, $0xA  }
0x3f: {  	s21 =	sshll.u32 @!p1 s13, $0x3;
	s20 =	sand.u32 @!p1 $0xFFFFE000, s20  }
0x40: {  	s20 =	sadd.s32 @!p1 s20, s21  }
0x41: {  	s20 =	sshrl.u32 @!p1 s20, $0xA  }
0x42: {  	s21 =	smulhi.u32 @!p1 $0x4924925, s20  }
0x43: {  	s22 =	sshll.u32 @!p1 s14, $0x7;
	s24 =	smul.u32 @!p1 $0x1C00, s15  }
0x44: {  	s23 =	sand.u32 @!p1 $0x78, s13;
	s22 =	sand.u32 @!p1 $0x380, s22;
	s21 =	smul.u32 @!p1 $0x38, s21  }
0x45: {  	s31 =	sadd.s32 $0xFFFFFFFF, s16;
	s22 =	sor.u32 @!p1 s23, s22;
	s23 =	sadd.s32 @!p1 s4, s24  }
0x46: {  	s22 =	sshrl.u32 @!p1 s22, $0x3;
	s20 =	ssub.s32 @!p1 s20, s21;
	s21 =	sxor.u32 @!p1 $0xFFFFFFFF, s16  }
0x47: {  	s22 =	sadd.s32 @!p1 s22, s23;
	s23 =	sand.u32 @!p1 $0x7, s13;
	s21 =	sshll.u32 @!p1 s21, $0xE  }
0x48: {  	s23 =	sshll.u32 @!p1 s23, $0x12;
	s20 =	sshll.u32 @!p1 s20, $0x7;
	s21 =	sand.u32 @!p1 $0x4000, s21  }
0x49: {  	s20 =	sadd.s32 @!p1 s20, s22;
	s22 =	sor.u32 @!p1 $0x80, s23;
	s23 =	simm.s32 @!p1 $0xE000  }
0x4a: {  	[tilespmem:s21], [sflag:$0x1] =	stream.strided.gather @!p1 [hbm4b:s20+s22], $0x4000, s23, s22, $0x38;
	[tilespmem:$0x10100] =	vst v63  }
0x4b: {  	p1 =	sge.u32 s31, s6  }
.Ltmp2:
0x4c: {  	_ = 	snop;
	(pc) =	sbr.rel @p1 .LBB1_5-.Ltmp2, $1  }
0x4d: {  	_ =	sdelay $0x3  }
0x4e: {  	s20 =	simm.s32 $0x1  }
0x4f: {  	_ =	swait.ge [sflag:s5], $0x4000;
	s20 =	simm.s32 @!p0 $0x0  }
0x50: {  	[sflag:s5] =	ssyncset.done $0x0;
	s21 =	sshll.u32 s20, $0xE  }
0x51: {  	[sflag:s5] =	ssyncadd.s32 $0xFFFFC000;
	s21 =	sor.u32 $0x40, s21  }
0x52: {  	s20 =	smul.u32 $0x10200, s20;
	v0 =	vld [tilespmem:s21+$0x30]  }
0x53: {  	v1 =	vld [tilespmem:s21+$0xFFFFFFD0]  }
0x54: {  	s20 =	sshrl.u32 s20, $0x2;
	v5 =	vld [tilespmem:s21+$0xFFFFFFE0]  }
0x55: {  	v6 =	vld [tilespmem:s21+$0xFFFFFFF0];
	s23 =	sor.u32 $0x8000, s20  }
0x56: {  	s31 =	sand.u32 $0x1, s16;
	v4 =	vld [tilespmem:s21+$0x0];
	s22 =	sadd.s32 $0x0, s23  }
0x57: {  	v3 =	vld [tilespmem:s21+$0x10];
	s20 =	smul.u32 $0x10200, s31;
	[tilespmem:s22+$0x3870 ss:$0x81] =	vst.msk $0xffff, v0  }
0x58: {  	v2 =	vld [tilespmem:s21+$0x20];
	[tilespmem:s22+$0x810 ss:$0x81] =	vst.msk $0xffff, v1  }
0x59: {  	s20 =	sshrl.u32 s20, $0x2;
	v1 =	vld [tilespmem:s21+$0xFFFFFFC0];
	[tilespmem:s22+$0x1020 ss:$0x81] =	vst.msk $0xffff, v5;
	s21 =	sadd.s32 $0x80, s21  }
0x5a: {  	s24 =	simm.s32 $0x4;
	s25 =	simm.s32 $0x8;
	s20 =	sor.u32 $0x8000, s20;
	[tilespmem:s22+$0x1830 ss:$0x81] =	vst.msk $0xffff, v6;
	v0 =	vld [tilespmem:s21+$0x30]  }
.LBB1_3:
0x5b: {  	p1 =	sne.s32 s25, $0x1FC;
	v5 =	vld [tilespmem:s21+$0xFFFFFFD0];
	[tilespmem:s22+$0x2040 ss:$0x81] =	vst.msk $0xffff, v4  }
0x5c: {  	v6 =	vld [tilespmem:s21+$0xFFFFFFE0];
	[tilespmem:s22+$0x2850 ss:$0x81] =	vst.msk $0xffff, v3  }
0x5d: {  	s26 =	sshra.s32 s24, $0x2;
	s24 =	smov.u32 s25;
	v7 =	vld [tilespmem:s21+$0xFFFFFFF0];
	[tilespmem:s22+$0x3060 ss:$0x81] =	vst.msk $0xffff, v2  }
.Ltmp3:
0x5e: {  	v4 =	vld [tilespmem:s21+$0x0];
	[tilespmem:s22+$0x0 ss:$0x81] =	vst.msk $0xffff, v1;
	s22 =	sadd.s32 s26, s23;
	(pc) =	sbr.rel @p1 .LBB1_3-.Ltmp3, $4  }
0x5f: {  	v3 =	vld [tilespmem:s21+$0x10];
	[tilespmem:s22+$0x3870 ss:$0x81] =	vst.msk $0xffff, v0  }
0x60: {  	[tilespmem:s22+$0x810 ss:$0x81] =	vst.msk $0xffff, v5;
	v2 =	vld [tilespmem:s21+$0x20]  }
0x61: {  	v1 =	vld [tilespmem:s21+$0xFFFFFFC0];
	[tilespmem:s22+$0x1020 ss:$0x81] =	vst.msk $0xffff, v6;
	s21 =	sadd.s32 $0x80, s21  }
0x62: {  	s25 =	sadd.s32 $0x4, s25;
	v0 =	vld [tilespmem:s21+$0x30];
	[tilespmem:s22+$0x1830 ss:$0x81] =	vst.msk $0xffff, v7  }
.Ltmp4:
0x63: {  	_ = 	snop;
	(pc) =	sbr.rel .LBB1_4-.Ltmp4, $1  }
0x64: {  	_ =	sdelay $0x3  }
.LBB1_6:
0x65: {  	_ =	sfence.sel $0x180000  }
0x66: {  	s2 =	simm.s32 $0x1;
	[bflag:$0x0] =	sbarrier.arrive $0xFFFF  }
0x67: {  	s31 =	simm.s32 $0x2;
	[sflag:s2] =	ssyncpa.u1 $0x1  }
0x68: {  	[sflag:s31] =	ssyncpa.u1 $0x1  }
0x69: {  	p0 =	sne.s32 s0, $0x0;
	_ =	strace $0x9000004A  }
0x6a: {  	s0 =	sadd.s32 @!p0 $0x100000, s1;
	[bflag:$0x2] =	sbarrier.arrive $0xFFFF  }
0x6b: {  	[sflag:s0] =	ssyncadd.tile.s32 @!p0 $0x1;
	_ =	shalt  }
.Lfunc_end1:
_tile_overlayer_lowered:
.L_overlay_start_2:
0x6c: {  	(tag) =	ssettag $0x2  }
0x6d: {  	s0 =	rddreg [dreg:$0x0];
	s2 =	stileid.u32  }
0x6e: {  	s1 =	rddreg [dreg:$0x1];
	p0 =	sne.s32 s2, $0x0  }
0x6f: {  	s3 =	rddreg [dreg:$0x2];
	[bflag:$0x3] =	sbarrier.arrive $0xFFFF;
	s2 =	simm.s32 @!p0 $0x1C01  }
0x70: {  	[timem:s3], [sflag:s2] =	dma.local @!p0 [hbm:s0], s1  }
0x71: {  	s0 =	simm.s32 @!p0 $0x1  }
0x72: {  	_ =	swait.ge @!p0 [sflag:s0], s1  }
0x73: {  	s1 =	ssub.s32 @!p0 $0x0, s1;
	[sflag:s0] =	ssyncset.done @!p0 $0x0  }
0x74: {  	[sflag:s0] =	ssyncadd.s32 @!p0 s1  }
0x75: {  	[bflag:$0x3] =	sbarrier.arrive $0xFFFF  }
0x76: {  	_ =	shalt  }

</sc_bundles>
